<compile_context>
chip_gen: v7x
topology: tpu7x:2x2x1
jax: 0.10.2.dev20260603
libtpu: 0.0.44.dev20260713+nightly
codegen_flags: <defaults>
</compile_context>

<pallas_src>
import functools

import jax
import jax.numpy as jnp
from jax import lax
from jax.experimental import pallas as pl
from jax.experimental.pallas import tpu as pltpu
from jax.experimental.pallas import tpu_sc as plsc

NC = 2
NS = 16
LANES = 16



def _matmul_bias(x, w, b, block_rows):
    rows, k = x.shape
    m = w.shape[1]

    def body(x_ref, w_ref, b_ref, o_ref):
        o_ref[...] = (
            jnp.dot(x_ref[...], w_ref[...], preferred_element_type=jnp.float32)
            + b_ref[...]
        )

    return pl.pallas_call(
        body,
        out_shape=jax.ShapeDtypeStruct((rows, m), jnp.float32),
        grid=(rows // block_rows,),
        in_specs=[
            pl.BlockSpec((block_rows, k), lambda i: (i, 0)),
            pl.BlockSpec((k, m), lambda i: (0, 0)),
            pl.BlockSpec((1, m), lambda i: (0, 0)),
        ],
        out_specs=pl.BlockSpec((block_rows, m), lambda i: (i, 0)),
    )(x, w, b.reshape(1, m))


def _matmul_bias_3d(xt, w, b, ch, blk_chunks, row0, rows):
    k = xt.shape[0]
    m = w.shape[1]
    block_rows = blk_chunks * ch
    off = row0 // block_rows

    def body(xt_ref, w_ref, b_ref, o_ref):
        res = lax.dot_general(
            xt_ref[...], w_ref[...], (((0,), (0,)), ((), ())),
            preferred_element_type=jnp.float32,
        ) + b_ref[...]
        o_ref[...] = res.reshape(blk_chunks, ch, m)

    return pl.pallas_call(
        body,
        out_shape=jax.ShapeDtypeStruct((rows // ch, ch, m), jnp.float32),
        grid=(rows // block_rows,),
        in_specs=[
            pl.BlockSpec((k, block_rows), lambda i: (0, i + off)),
            pl.BlockSpec((k, m), lambda i: (0, 0)),
            pl.BlockSpec((1, m), lambda i: (0, 0)),
        ],
        out_specs=pl.BlockSpec((blk_chunks, ch, m), lambda i: (i, 0, 0)),
    )(xt, w, b.reshape(1, m))


def _apply_layer(x, parts_a, wa_top, wa_bot, b, block_rows):
    n, d = x.shape
    m = wa_top.shape[1]

    def body(x_ref, ha_ref, wt_ref, wb_ref, b_ref, o_ref):
        h = ha_ref[0] + ha_ref[1]
        acc = jnp.dot(x_ref[...], wt_ref[...], preferred_element_type=jnp.float32)
        acc += jnp.dot(h, wb_ref[...], preferred_element_type=jnp.float32)
        o_ref[...] = jnp.maximum(acc + b_ref[...], 0.0)

    part_spec = pl.BlockSpec((NC, block_rows, m), lambda i: (0, i, 0))
    return pl.pallas_call(
        body,
        out_shape=jax.ShapeDtypeStruct((n, m), jnp.float32),
        grid=(n // block_rows,),
        in_specs=[
            pl.BlockSpec((block_rows, d), lambda i: (i, 0)),
            part_spec,
            pl.BlockSpec((d, m), lambda i: (0, 0)),
            pl.BlockSpec((m, m), lambda i: (0, 0)),
            pl.BlockSpec((1, m), lambda i: (0, 0)),
        ],
        out_specs=pl.BlockSpec((block_rows, m), lambda i: (i, 0)),
    )(x, parts_a, wa_top, wa_bot, b.reshape(1, m))



def _sc_edge_kernel(n_nodes, n_edges, do, ch):
    n_workers = NC * NS
    epw = n_edges // n_workers
    nchunks = epw // ch
    rows_per_tile = n_nodes // NS
    assert epw % ch == 0 and ch % LANES == 0 and nchunks >= 4

    mesh = plsc.VectorSubcoreMesh(
        core_axis_name="c", subcore_axis_name="s", num_cores=NC, num_subcores=NS
    )

    group_starts = list(range(0, ch, LANES))

    @functools.partial(
        pl.kernel,
        out_type=jax.ShapeDtypeStruct((NC, n_nodes, do), jnp.float32),
        mesh=mesh,
        scratch_types=[
            pltpu.VMEM((nchunks, ch), jnp.int32),
            pltpu.VMEM((ch,), jnp.int32),
            pltpu.VMEM((ch,), jnp.int32),
            pltpu.VMEM((ch,), jnp.int32),
            pltpu.VMEM((ch,), jnp.int32),
            pltpu.VMEM((ch, do), jnp.float32),
            pltpu.VMEM((ch, do), jnp.float32),
            pltpu.VMEM((ch, do), jnp.float32),
            pltpu.VMEM_SHARED((n_nodes, do), jnp.float32),
            pltpu.SemaphoreType.DMA,
            pltpu.SemaphoreType.DMA,
            pltpu.SemaphoreType.DMA,
            pltpu.SemaphoreType.DMA,
            pltpu.SemaphoreType.DMA,
        ],
    )
    def body(p_hbm, q_hbm, idx_hbm, out_hbm,
             idx_v, src0, src1, dst0, dst1, pv0, pv1, qv0, acc,
             sg0, sg1, sq0, ss0, ss1):
        cid = lax.axis_index("c")
        sid = lax.axis_index("s")
        wid = cid * NS + sid
        src = (src0, src1)
        dst = (dst0, dst1)
        p_v = (pv0, pv1)
        sg = (sg0, sg1)
        ss = (ss0, ss1)

        def zrow(j, c2):
            for l in range(do // LANES):
                qv0[j, pl.ds(l * LANES, LANES)] = jnp.zeros((LANES,), jnp.float32)
            return c2

        lax.fori_loop(0, ch, zrow, 0)
        r0 = sid * rows_per_tile
        zch = 8 * (ch // 8)
        nfull = rows_per_tile // zch
        rem = rows_per_tile - nfull * zch
        for zi in range(nfull):
            pltpu.sync_copy(qv0.at[pl.ds(0, zch)],
                            acc.at[pl.ds(r0 + zi * zch, zch)])
        if rem:
            pltpu.sync_copy(qv0.at[pl.ds(0, rem)],
                            acc.at[pl.ds(r0 + nfull * zch, rem)])

        crow = wid * nchunks
        pltpu.sync_copy(idx_hbm.at[wid], idx_v)
        plsc.subcore_barrier()

        def unpack(i, b):
            for g in group_starts:
                s = pl.ds(g, LANES)
                packed = idx_v[i, s]
                src[b][s] = lax.bitwise_and(packed, 0xFFFF)
                dst[b][s] = lax.shift_right_logical(packed, 16)

        def issue_gather(b):
            pltpu.async_copy(p_hbm.at[src[b]], p_v[b], sg[b])

        def wait_gather(b):
            pltpu.make_async_copy(p_hbm.at[src[b]], p_v[b], sg[b]).wait()

        def issue_qload(i):
            pltpu.async_copy(q_hbm.at[crow + i], qv0, sq0)

        def wait_qload():
            pltpu.make_async_copy(q_hbm.at[crow], qv0, sq0).wait()

        def compute(b):
            def row(j, c2):
                for l in range(do // LANES):
                    s = pl.ds(l * LANES, LANES)
                    p_v[b][j, s] = jnp.maximum(
                        p_v[b][j, s] + qv0[j, s], 0.0)
                return c2

            lax.fori_loop(0, ch, row, 0)

        def issue_scatter(b):
            pltpu.async_copy(p_v[b], acc.at[dst[b]], ss[b], add=True)

        def wait_scatter(b):
            pltpu.make_async_copy(p_v[b], acc.at[dst[b]], ss[b]).wait()

        unpack(0, 0)
        issue_gather(0)
        issue_qload(0)

        def step(t, carry):
            for k in range(2):
                i = 2 * t + k
                if k == 0:
                    @pl.when(t > 0)
                    def _():
                        wait_scatter(1)
                else:
                    wait_scatter(0)
                unpack(i + 1, 1 - k)
                issue_gather(1 - k)
                wait_gather(k)
                wait_qload()
                compute(k)
                issue_qload(i + 1)
                issue_scatter(k)
            return carry

        if nchunks % 2:
            lax.fori_loop(0, (nchunks - 1) // 2, step, 0)
            wait_scatter(1)
            wait_gather(0)
            wait_qload()
            compute(0)
            issue_scatter(0)
            wait_scatter(0)
        else:
            lax.fori_loop(0, nchunks // 2 - 1, step, 0)
            wait_scatter(1)
            unpack(nchunks - 1, 1)
            issue_gather(1)
            wait_gather(0)
            wait_qload()
            compute(0)
            issue_qload(nchunks - 1)
            issue_scatter(0)
            wait_scatter(0)
            wait_gather(1)
            wait_qload()
            compute(1)
            issue_scatter(1)
            wait_scatter(1)

        plsc.subcore_barrier()
        pltpu.sync_copy(
            acc.at[pl.ds(r0, rows_per_tile)],
            out_hbm.at[cid, pl.ds(r0, rows_per_tile)],
        )

    return body



CH = 80


def kernel(node_features, edge_index, edge_features, W_msg, b_msg,
           W_apply, b_apply):
    n, d = node_features.shape
    e = edge_features.shape[0]
    do = W_msg.shape[1]
    nw = NC * NS

    npad = ((n + NS * 8 - 1) // (NS * 8)) * (NS * 8)

    w_msg_top = W_msg[:d]
    w_msg_bot = W_msg[d:]
    wa_top = W_apply[:d]
    wa_bot = W_apply[d:]

    p = _matmul_bias(node_features, w_msg_top, jnp.zeros((do,), jnp.float32),
                     block_rows=2000)
    q = _matmul_bias_3d(edge_features.T, w_msg_bot, b_msg, CH, 160, 0, e)

    pk = (edge_index[0] | (edge_index[1] << 16)).reshape(
        nw, e // (nw * CH), CH)

    parts = _sc_edge_kernel(npad, e, do, CH)(p, q, pk)

    return _apply_layer(node_features, parts, wa_top, wa_bot,
                        b_apply, block_rows=2000)

# --- scband reference (transcript-rebuilt; emitter-appended) ---
"""Pipeline reference for scband-gnnlayer-40303973105841 (READ-ONLY COPY).

The authoritative reference and input builder live on the scoring server;
editing this copy changes nothing except your own understanding.
"""

import jax, jax.numpy as jnp
import numpy as np


def setup_inputs(seed: int = 0) -> dict:
    key = jax.random.key(seed)
    ks = jax.random.split(key, 8)
    N, E, D, DE, DO = 10000, 320000, 128, 16, 128
    node_features = jax.random.normal(ks[0], (N, D), dtype=jnp.float32)
    edge_index = jax.random.randint(ks[1], (2, E), 0, N, dtype=jnp.int32)
    edge_features = jax.random.normal(ks[2], (E, DE), dtype=jnp.float32)
    W_msg = jax.random.normal(ks[3], (D + DE, DO), dtype=jnp.float32) * 0.02
    b_msg = jnp.zeros((DO,), dtype=jnp.float32)
    W_apply = jax.random.normal(ks[4], (DO + D, DO), dtype=jnp.float32) * 0.02
    b_apply = jnp.zeros((DO,), dtype=jnp.float32)
    return {
        "node_features": node_features,
        "edge_index": edge_index,
        "edge_features": edge_features,
        "W_msg": W_msg,
        "b_msg": b_msg,
        "W_apply": W_apply,
        "b_apply": b_apply,
    }


def reference(node_features, edge_index, edge_features, W_msg, b_msg, W_apply, b_apply):
    src = edge_index[0]
    dst = edge_index[1]
    # message_func: m = relu(W_msg(concat(h_src, e)))
    h_src = jnp.take(node_features, src, axis=0)
    msg_in = jnp.concatenate([h_src, edge_features], axis=-1)
    m = jax.nn.relu(msg_in @ W_msg + b_msg)
    # update_all with fn.sum('m','h_neigh'): scatter-add messages to dst nodes
    h_neigh = jax.ops.segment_sum(m, dst, num_segments=node_features.shape[0])
    # apply: h = relu(W_apply(concat(h, h_neigh)))
    apply_in = jnp.concatenate([node_features, h_neigh], axis=-1)
    out = jax.nn.relu(apply_in @ W_apply + b_apply)
    return out

if __name__ == "__main__":
    import jax
    _d = setup_inputs()
    print(jax.jit(kernel)(*tuple(_d.values())))

</pallas_src>

<mosaic_0001>
#map = affine_map<(d0, d1) -> (0, 0)>
#map1 = affine_map<(d0, d1) -> (0, 0, 0)>
module attributes {stable_mosaic.version = 14 : i64} {
  func.func @body(%arg0: i32, %arg1: i32, %arg2: memref<10000x128xf32, #tpu.memory_space<hbm>>, %arg3: memref<4000x80x128xf32, #tpu.memory_space<hbm>>, %arg4: memref<32x125x80xi32, #tpu.memory_space<hbm>>, %arg5: memref<2x10112x128xf32, #tpu.memory_space<hbm>>, %arg6: memref<125x80xi32, #tpu.memory_space<vmem>>, %arg7: memref<80xi32, #tpu.memory_space<vmem>>, %arg8: memref<80xi32, #tpu.memory_space<vmem>>, %arg9: memref<80xi32, #tpu.memory_space<vmem>>, %arg10: memref<80xi32, #tpu.memory_space<vmem>>, %arg11: memref<80x128xf32, #tpu.memory_space<vmem>>, %arg12: memref<80x128xf32, #tpu.memory_space<vmem>>, %arg13: memref<80x128xf32, #tpu.memory_space<vmem>>, %arg14: memref<10112x128xf32, #tpu.memory_space<vmem_shared>>, %arg15: memref<!tpu.dma_semaphore, #tpu.memory_space<semaphore_mem>>, %arg16: memref<!tpu.dma_semaphore, #tpu.memory_space<semaphore_mem>>, %arg17: memref<!tpu.dma_semaphore, #tpu.memory_space<semaphore_mem>>, %arg18: memref<!tpu.dma_semaphore, #tpu.memory_space<semaphore_mem>>, %arg19: memref<!tpu.dma_semaphore, #tpu.memory_space<semaphore_mem>>) attributes {dimension_semantics = [#tpu.dimension_semantics<core_parallel>, #tpu.dimension_semantics<subcore_parallel>], iteration_bounds = array<i64: 2, 16>, scalar_prefetch = 0 : i64, scratch_operands = 14 : i64, tpu.core_type = #tpu.core_type<sc_vector_subcore>, window_params = [{transform_indices = #map}, {transform_indices = #map1}, {transform_indices = #map1}, {transform_indices = #map1}]} {
    %mul3A = arith.constant 16 : i32
    %mul3A_0 = arith.muli %arg0, %mul3A : i32
    %add3A = arith.addi %mul3A_0, %arg1 : i32
    %scan3A = arith.constant 0 : i32
    %scan3A_1 = arith.constant 0 : i32
    %scan3A_2 = arith.constant 80 : i32
    %scan3A_3 = arith.addi %scan3A_1, %scan3A_2 : i32
    %scan3A_4 = arith.constant 1 : i32
    scf.for %scan3A_161 = %scan3A_1 to %scan3A_3 step %scan3A_4  : i32 {
      %broadcast_in_dim3A = arith.constant 0.000000e+00 : f32
      %broadcast_in_dim3A_162 = vector.broadcast %broadcast_in_dim3A : f32 to vector<16xf32>
      %swap3A_163 = arith.index_cast %scan3A_161 : i32 to index
      %swap3A_164 = arith.constant 0 : index
      %swap3A_165 = tpu.vector_load %arg13[%swap3A_163, %swap3A_164] {strides = array<i32>} : memref<80x128xf32, #tpu.memory_space<vmem>>, vector<1x16xf32>,
      %swap3A_166 = vector.shape_cast %swap3A_165 : vector<1x16xf32> to vector<16xf32>
      %swap3A_167 = vector.shape_cast %broadcast_in_dim3A_162 : vector<16xf32> to vector<1x16xf32>
      tpu.vector_store %arg13[%swap3A_163, %swap3A_164], %swap3A_167 {strides = array<i32>} : memref<80x128xf32, #tpu.memory_space<vmem>>, vector<1x16xf32>,
      %broadcast_in_dim3A_168 = arith.constant 0.000000e+00 : f32
      %broadcast_in_dim3A_169 = vector.broadcast %broadcast_in_dim3A_168 : f32 to vector<16xf32>
      %swap3A_170 = arith.index_cast %scan3A_161 : i32 to index
      %swap3A_171 = arith.constant 16 : index
      %swap3A_172 = tpu.vector_load %arg13[%swap3A_170, %swap3A_171] {strides = array<i32>} : memref<80x128xf32, #tpu.memory_space<vmem>>, vector<1x16xf32>,
      %swap3A_173 = vector.shape_cast %swap3A_172 : vector<1x16xf32> to vector<16xf32>
      %swap3A_174 = vector.shape_cast %broadcast_in_dim3A_169 : vector<16xf32> to vector<1x16xf32>
      tpu.vector_store %arg13[%swap3A_170, %swap3A_171], %swap3A_174 {strides = array<i32>} : memref<80x128xf32, #tpu.memory_space<vmem>>, vector<1x16xf32>,
      %broadcast_in_dim3A_175 = arith.constant 0.000000e+00 : f32
      %broadcast_in_dim3A_176 = vector.broadcast %broadcast_in_dim3A_175 : f32 to vector<16xf32>
      %swap3A_177 = arith.index_cast %scan3A_161 : i32 to index
      %swap3A_178 = arith.constant 32 : index
      %swap3A_179 = tpu.vector_load %arg13[%swap3A_177, %swap3A_178] {strides = array<i32>} : memref<80x128xf32, #tpu.memory_space<vmem>>, vector<1x16xf32>,
      %swap3A_180 = vector.shape_cast %swap3A_179 : vector<1x16xf32> to vector<16xf32>
      %swap3A_181 = vector.shape_cast %broadcast_in_dim3A_176 : vector<16xf32> to vector<1x16xf32>
      tpu.vector_store %arg13[%swap3A_177, %swap3A_178], %swap3A_181 {strides = array<i32>} : memref<80x128xf32, #tpu.memory_space<vmem>>, vector<1x16xf32>,
      %broadcast_in_dim3A_182 = arith.constant 0.000000e+00 : f32
      %broadcast_in_dim3A_183 = vector.broadcast %broadcast_in_dim3A_182 : f32 to vector<16xf32>
      %swap3A_184 = arith.index_cast %scan3A_161 : i32 to index
      %swap3A_185 = arith.constant 48 : index
      %swap3A_186 = tpu.vector_load %arg13[%swap3A_184, %swap3A_185] {strides = array<i32>} : memref<80x128xf32, #tpu.memory_space<vmem>>, vector<1x16xf32>,
      %swap3A_187 = vector.shape_cast %swap3A_186 : vector<1x16xf32> to vector<16xf32>
      %swap3A_188 = vector.shape_cast %broadcast_in_dim3A_183 : vector<16xf32> to vector<1x16xf32>
      tpu.vector_store %arg13[%swap3A_184, %swap3A_185], %swap3A_188 {strides = array<i32>} : memref<80x128xf32, #tpu.memory_space<vmem>>, vector<1x16xf32>,
      %broadcast_in_dim3A_189 = arith.constant 0.000000e+00 : f32
      %broadcast_in_dim3A_190 = vector.broadcast %broadcast_in_dim3A_189 : f32 to vector<16xf32>
      %swap3A_191 = arith.index_cast %scan3A_161 : i32 to index
      %swap3A_192 = arith.constant 64 : index
      %swap3A_193 = tpu.vector_load %arg13[%swap3A_191, %swap3A_192] {strides = array<i32>} : memref<80x128xf32, #tpu.memory_space<vmem>>, vector<1x16xf32>,
      %swap3A_194 = vector.shape_cast %swap3A_193 : vector<1x16xf32> to vector<16xf32>
      %swap3A_195 = vector.shape_cast %broadcast_in_dim3A_190 : vector<16xf32> to vector<1x16xf32>
      tpu.vector_store %arg13[%swap3A_191, %swap3A_192], %swap3A_195 {strides = array<i32>} : memref<80x128xf32, #tpu.memory_space<vmem>>, vector<1x16xf32>,
      %broadcast_in_dim3A_196 = arith.constant 0.000000e+00 : f32
      %broadcast_in_dim3A_197 = vector.broadcast %broadcast_in_dim3A_196 : f32 to vector<16xf32>
      %swap3A_198 = arith.index_cast %scan3A_161 : i32 to index
      %swap3A_199 = arith.constant 80 : index
      %swap3A_200 = tpu.vector_load %arg13[%swap3A_198, %swap3A_199] {strides = array<i32>} : memref<80x128xf32, #tpu.memory_space<vmem>>, vector<1x16xf32>,
      %swap3A_201 = vector.shape_cast %swap3A_200 : vector<1x16xf32> to vector<16xf32>
      %swap3A_202 = vector.shape_cast %broadcast_in_dim3A_197 : vector<16xf32> to vector<1x16xf32>
      tpu.vector_store %arg13[%swap3A_198, %swap3A_199], %swap3A_202 {strides = array<i32>} : memref<80x128xf32, #tpu.memory_space<vmem>>, vector<1x16xf32>,
      %broadcast_in_dim3A_203 = arith.constant 0.000000e+00 : f32
      %broadcast_in_dim3A_204 = vector.broadcast %broadcast_in_dim3A_203 : f32 to vector<16xf32>
      %swap3A_205 = arith.index_cast %scan3A_161 : i32 to index
      %swap3A_206 = arith.constant 96 : index
      %swap3A_207 = tpu.vector_load %arg13[%swap3A_205, %swap3A_206] {strides = array<i32>} : memref<80x128xf32, #tpu.memory_space<vmem>>, vector<1x16xf32>,
      %swap3A_208 = vector.shape_cast %swap3A_207 : vector<1x16xf32> to vector<16xf32>
      %swap3A_209 = vector.shape_cast %broadcast_in_dim3A_204 : vector<16xf32> to vector<1x16xf32>
      tpu.vector_store %arg13[%swap3A_205, %swap3A_206], %swap3A_209 {strides = array<i32>} : memref<80x128xf32, #tpu.memory_space<vmem>>, vector<1x16xf32>,
      %broadcast_in_dim3A_210 = arith.constant 0.000000e+00 : f32
      %broadcast_in_dim3A_211 = vector.broadcast %broadcast_in_dim3A_210 : f32 to vector<16xf32>
      %swap3A_212 = arith.index_cast %scan3A_161 : i32 to index
      %swap3A_213 = arith.constant 112 : index
      %swap3A_214 = tpu.vector_load %arg13[%swap3A_212, %swap3A_213] {strides = array<i32>} : memref<80x128xf32, #tpu.memory_space<vmem>>, vector<1x16xf32>,
      %swap3A_215 = vector.shape_cast %swap3A_214 : vector<1x16xf32> to vector<16xf32>
      %swap3A_216 = vector.shape_cast %broadcast_in_dim3A_211 : vector<16xf32> to vector<1x16xf32>
      tpu.vector_store %arg13[%swap3A_212, %swap3A_213], %swap3A_216 {strides = array<i32>} : memref<80x128xf32, #tpu.memory_space<vmem>>, vector<1x16xf32>,
    }
    %scan3A_5 = arith.constant 80 : i32
    %mul3A_6 = arith.constant 632 : i32
    %mul3A_7 = arith.muli %arg1, %mul3A_6 : i32
    %add3A_8 = arith.constant 0 : i32
    %add3A_9 = arith.addi %mul3A_7, %add3A_8 : i32
    "tpu.region"() ({
      %run_scoped3A = tpu.sem_alloc : memref<!tpu.dma_semaphore, #tpu.memory_space<semaphore_mem>>
      %dma_start3A_161 = arith.constant 0 : i32
      %dma_start3A_162 = arith.constant 0 : i32
      %dma_start3A_163 = tpu.memref_slice %arg13[%dma_start3A_161, %dma_start3A_162] : memref<80x128xf32, #tpu.memory_space<vmem>> -> memref<80x128xf32, #tpu.memory_space<vmem>>
      %dma_start3A_164 = arith.constant 0 : i32
      %dma_start3A_165 = tpu.memref_slice %arg14[%add3A_9, %dma_start3A_164] : memref<10112x128xf32, #tpu.memory_space<vmem_shared>> -> memref<80x128xf32, #tpu.memory_space<vmem_shared>>
      %dma_start3A_166 = arith.constant 0 : i32
      %dma_start3A_167 = tpu.memref_slice %arg14[%add3A_9, %dma_start3A_166] : memref<10112x128xf32, #tpu.memory_space<vmem_shared>> -> memref<80x128xf32, #tpu.memory_space<vmem_shared>>
      %dma_start3A_168 = arith.constant 0 : i32
      %dma_start3A_169 = arith.constant 0 : i32
      %dma_start3A_170 = tpu.memref_slice %arg13[%dma_start3A_168, %dma_start3A_169] : memref<80x128xf32, #tpu.memory_space<vmem>> -> memref<80x128xf32, #tpu.memory_space<vmem>>
      tpu.enqueue_dma source(%dma_start3A_170 : memref<80x128xf32, #tpu.memory_space<vmem>>) target(%dma_start3A_167 : memref<80x128xf32, #tpu.memory_space<vmem_shared>>) target_semaphore(%run_scoped3A : memref<!tpu.dma_semaphore, #tpu.memory_space<semaphore_mem>>)
      %dma_wait3A_171 = arith.constant 0 : i32
      %dma_wait3A_172 = arith.constant 0 : i32
      %dma_wait3A_173 = tpu.memref_slice %arg13[%dma_wait3A_171, %dma_wait3A_172] : memref<80x128xf32, #tpu.memory_space<vmem>> -> memref<80x128xf32, #tpu.memory_space<vmem>>
      %dma_wait3A_174 = arith.constant 0 : i32
      %dma_wait3A_175 = tpu.memref_slice %arg14[%add3A_9, %dma_wait3A_174] : memref<10112x128xf32, #tpu.memory_space<vmem_shared>> -> memref<80x128xf32, #tpu.memory_space<vmem_shared>>
      %dma_wait3A_176 = arith.constant 0 : i32
      %dma_wait3A_177 = tpu.memref_slice %arg14[%add3A_9, %dma_wait3A_176] : memref<10112x128xf32, #tpu.memory_space<vmem_shared>> -> memref<80x128xf32, #tpu.memory_space<vmem_shared>>
      %dma_wait3A_178 = arith.constant 0 : i32
      %dma_wait3A_179 = arith.constant 0 : i32
      %dma_wait3A_180 = tpu.memref_slice %arg13[%dma_wait3A_178, %dma_wait3A_179] : memref<80x128xf32, #tpu.memory_space<vmem>> -> memref<80x128xf32, #tpu.memory_space<vmem>>
      tpu.wait_dma2 semaphore(%run_scoped3A : memref<!tpu.dma_semaphore, #tpu.memory_space<semaphore_mem>>) src(%dma_wait3A_180 : memref<80x128xf32, #tpu.memory_space<vmem>>) dst(%dma_wait3A_177 : memref<80x128xf32, #tpu.memory_space<vmem_shared>>)
      tpu.yield
    }) : () -> ()
    %add3A_10 = arith.constant 80 : i32
    %add3A_11 = arith.addi %mul3A_7, %add3A_10 : i32
    "tpu.region"() ({
      %run_scoped3A = tpu.sem_alloc : memref<!tpu.dma_semaphore, #tpu.memory_space<semaphore_mem>>
      %dma_start3A_161 = arith.constant 0 : i32
      %dma_start3A_162 = arith.constant 0 : i32
      %dma_start3A_163 = tpu.memref_slice %arg13[%dma_start3A_161, %dma_start3A_162] : memref<80x128xf32, #tpu.memory_space<vmem>> -> memref<80x128xf32, #tpu.memory_space<vmem>>
      %dma_start3A_164 = arith.constant 0 : i32
      %dma_start3A_165 = tpu.memref_slice %arg14[%add3A_11, %dma_start3A_164] : memref<10112x128xf32, #tpu.memory_space<vmem_shared>> -> memref<80x128xf32, #tpu.memory_space<vmem_shared>>
      %dma_start3A_166 = arith.constant 0 : i32
      %dma_start3A_167 = tpu.memref_slice %arg14[%add3A_11, %dma_start3A_166] : memref<10112x128xf32, #tpu.memory_space<vmem_shared>> -> memref<80x128xf32, #tpu.memory_space<vmem_shared>>
      %dma_start3A_168 = arith.constant 0 : i32
      %dma_start3A_169 = arith.constant 0 : i32
      %dma_start3A_170 = tpu.memref_slice %arg13[%dma_start3A_168, %dma_start3A_169] : memref<80x128xf32, #tpu.memory_space<vmem>> -> memref<80x128xf32, #tpu.memory_space<vmem>>
      tpu.enqueue_dma source(%dma_start3A_170 : memref<80x128xf32, #tpu.memory_space<vmem>>) target(%dma_start3A_167 : memref<80x128xf32, #tpu.memory_space<vmem_shared>>) target_semaphore(%run_scoped3A : memref<!tpu.dma_semaphore, #tpu.memory_space<semaphore_mem>>)
      %dma_wait3A_171 = arith.constant 0 : i32
      %dma_wait3A_172 = arith.constant 0 : i32
      %dma_wait3A_173 = tpu.memref_slice %arg13[%dma_wait3A_171, %dma_wait3A_172] : memref<80x128xf32, #tpu.memory_space<vmem>> -> memref<80x128xf32, #tpu.memory_space<vmem>>
      %dma_wait3A_174 = arith.constant 0 : i32
      %dma_wait3A_175 = tpu.memref_slice %arg14[%add3A_11, %dma_wait3A_174] : memref<10112x128xf32, #tpu.memory_space<vmem_shared>> -> memref<80x128xf32, #tpu.memory_space<vmem_shared>>
      %dma_wait3A_176 = arith.constant 0 : i32
      %dma_wait3A_177 = tpu.memref_slice %arg14[%add3A_11, %dma_wait3A_176] : memref<10112x128xf32, #tpu.memory_space<vmem_shared>> -> memref<80x128xf32, #tpu.memory_space<vmem_shared>>
      %dma_wait3A_178 = arith.constant 0 : i32
      %dma_wait3A_179 = arith.constant 0 : i32
      %dma_wait3A_180 = tpu.memref_slice %arg13[%dma_wait3A_178, %dma_wait3A_179] : memref<80x128xf32, #tpu.memory_space<vmem>> -> memref<80x128xf32, #tpu.memory_space<vmem>>
      tpu.wait_dma2 semaphore(%run_scoped3A : memref<!tpu.dma_semaphore, #tpu.memory_space<semaphore_mem>>) src(%dma_wait3A_180 : memref<80x128xf32, #tpu.memory_space<vmem>>) dst(%dma_wait3A_177 : memref<80x128xf32, #tpu.memory_space<vmem_shared>>)
      tpu.yield
    }) : () -> ()
    %add3A_12 = arith.constant 160 : i32
    %add3A_13 = arith.addi %mul3A_7, %add3A_12 : i32
    "tpu.region"() ({
      %run_scoped3A = tpu.sem_alloc : memref<!tpu.dma_semaphore, #tpu.memory_space<semaphore_mem>>
      %dma_start3A_161 = arith.constant 0 : i32
      %dma_start3A_162 = arith.constant 0 : i32
      %dma_start3A_163 = tpu.memref_slice %arg13[%dma_start3A_161, %dma_start3A_162] : memref<80x128xf32, #tpu.memory_space<vmem>> -> memref<80x128xf32, #tpu.memory_space<vmem>>
      %dma_start3A_164 = arith.constant 0 : i32
      %dma_start3A_165 = tpu.memref_slice %arg14[%add3A_13, %dma_start3A_164] : memref<10112x128xf32, #tpu.memory_space<vmem_shared>> -> memref<80x128xf32, #tpu.memory_space<vmem_shared>>
      %dma_start3A_166 = arith.constant 0 : i32
      %dma_start3A_167 = tpu.memref_slice %arg14[%add3A_13, %dma_start3A_166] : memref<10112x128xf32, #tpu.memory_space<vmem_shared>> -> memref<80x128xf32, #tpu.memory_space<vmem_shared>>
      %dma_start3A_168 = arith.constant 0 : i32
      %dma_start3A_169 = arith.constant 0 : i32
      %dma_start3A_170 = tpu.memref_slice %arg13[%dma_start3A_168, %dma_start3A_169] : memref<80x128xf32, #tpu.memory_space<vmem>> -> memref<80x128xf32, #tpu.memory_space<vmem>>
      tpu.enqueue_dma source(%dma_start3A_170 : memref<80x128xf32, #tpu.memory_space<vmem>>) target(%dma_start3A_167 : memref<80x128xf32, #tpu.memory_space<vmem_shared>>) target_semaphore(%run_scoped3A : memref<!tpu.dma_semaphore, #tpu.memory_space<semaphore_mem>>)
      %dma_wait3A_171 = arith.constant 0 : i32
      %dma_wait3A_172 = arith.constant 0 : i32
      %dma_wait3A_173 = tpu.memref_slice %arg13[%dma_wait3A_171, %dma_wait3A_172] : memref<80x128xf32, #tpu.memory_space<vmem>> -> memref<80x128xf32, #tpu.memory_space<vmem>>
      %dma_wait3A_174 = arith.constant 0 : i32
      %dma_wait3A_175 = tpu.memref_slice %arg14[%add3A_13, %dma_wait3A_174] : memref<10112x128xf32, #tpu.memory_space<vmem_shared>> -> memref<80x128xf32, #tpu.memory_space<vmem_shared>>
      %dma_wait3A_176 = arith.constant 0 : i32
      %dma_wait3A_177 = tpu.memref_slice %arg14[%add3A_13, %dma_wait3A_176] : memref<10112x128xf32, #tpu.memory_space<vmem_shared>> -> memref<80x128xf32, #tpu.memory_space<vmem_shared>>
      %dma_wait3A_178 = arith.constant 0 : i32
      %dma_wait3A_179 = arith.constant 0 : i32
      %dma_wait3A_180 = tpu.memref_slice %arg13[%dma_wait3A_178, %dma_wait3A_179] : memref<80x128xf32, #tpu.memory_space<vmem>> -> memref<80x128xf32, #tpu.memory_space<vmem>>
      tpu.wait_dma2 semaphore(%run_scoped3A : memref<!tpu.dma_semaphore, #tpu.memory_space<semaphore_mem>>) src(%dma_wait3A_180 : memref<80x128xf32, #tpu.memory_space<vmem>>) dst(%dma_wait3A_177 : memref<80x128xf32, #tpu.memory_space<vmem_shared>>)
      tpu.yield
    }) : () -> ()
    %add3A_14 = arith.constant 240 : i32
    %add3A_15 = arith.addi %mul3A_7, %add3A_14 : i32
    "tpu.region"() ({
      %run_scoped3A = tpu.sem_alloc : memref<!tpu.dma_semaphore, #tpu.memory_space<semaphore_mem>>
      %dma_start3A_161 = arith.constant 0 : i32
      %dma_start3A_162 = arith.constant 0 : i32
      %dma_start3A_163 = tpu.memref_slice %arg13[%dma_start3A_161, %dma_start3A_162] : memref<80x128xf32, #tpu.memory_space<vmem>> -> memref<80x128xf32, #tpu.memory_space<vmem>>
      %dma_start3A_164 = arith.constant 0 : i32
      %dma_start3A_165 = tpu.memref_slice %arg14[%add3A_15, %dma_start3A_164] : memref<10112x128xf32, #tpu.memory_space<vmem_shared>> -> memref<80x128xf32, #tpu.memory_space<vmem_shared>>
      %dma_start3A_166 = arith.constant 0 : i32
      %dma_start3A_167 = tpu.memref_slice %arg14[%add3A_15, %dma_start3A_166] : memref<10112x128xf32, #tpu.memory_space<vmem_shared>> -> memref<80x128xf32, #tpu.memory_space<vmem_shared>>
      %dma_start3A_168 = arith.constant 0 : i32
      %dma_start3A_169 = arith.constant 0 : i32
      %dma_start3A_170 = tpu.memref_slice %arg13[%dma_start3A_168, %dma_start3A_169] : memref<80x128xf32, #tpu.memory_space<vmem>> -> memref<80x128xf32, #tpu.memory_space<vmem>>
      tpu.enqueue_dma source(%dma_start3A_170 : memref<80x128xf32, #tpu.memory_space<vmem>>) target(%dma_start3A_167 : memref<80x128xf32, #tpu.memory_space<vmem_shared>>) target_semaphore(%run_scoped3A : memref<!tpu.dma_semaphore, #tpu.memory_space<semaphore_mem>>)
      %dma_wait3A_171 = arith.constant 0 : i32
      %dma_wait3A_172 = arith.constant 0 : i32
      %dma_wait3A_173 = tpu.memref_slice %arg13[%dma_wait3A_171, %dma_wait3A_172] : memref<80x128xf32, #tpu.memory_space<vmem>> -> memref<80x128xf32, #tpu.memory_space<vmem>>
      %dma_wait3A_174 = arith.constant 0 : i32
      %dma_wait3A_175 = tpu.memref_slice %arg14[%add3A_15, %dma_wait3A_174] : memref<10112x128xf32, #tpu.memory_space<vmem_shared>> -> memref<80x128xf32, #tpu.memory_space<vmem_shared>>
      %dma_wait3A_176 = arith.constant 0 : i32
      %dma_wait3A_177 = tpu.memref_slice %arg14[%add3A_15, %dma_wait3A_176] : memref<10112x128xf32, #tpu.memory_space<vmem_shared>> -> memref<80x128xf32, #tpu.memory_space<vmem_shared>>
      %dma_wait3A_178 = arith.constant 0 : i32
      %dma_wait3A_179 = arith.constant 0 : i32
      %dma_wait3A_180 = tpu.memref_slice %arg13[%dma_wait3A_178, %dma_wait3A_179] : memref<80x128xf32, #tpu.memory_space<vmem>> -> memref<80x128xf32, #tpu.memory_space<vmem>>
      tpu.wait_dma2 semaphore(%run_scoped3A : memref<!tpu.dma_semaphore, #tpu.memory_space<semaphore_mem>>) src(%dma_wait3A_180 : memref<80x128xf32, #tpu.memory_space<vmem>>) dst(%dma_wait3A_177 : memref<80x128xf32, #tpu.memory_space<vmem_shared>>)
      tpu.yield
    }) : () -> ()
    %add3A_16 = arith.constant 320 : i32
    %add3A_17 = arith.addi %mul3A_7, %add3A_16 : i32
    "tpu.region"() ({
      %run_scoped3A = tpu.sem_alloc : memref<!tpu.dma_semaphore, #tpu.memory_space<semaphore_mem>>
      %dma_start3A_161 = arith.constant 0 : i32
      %dma_start3A_162 = arith.constant 0 : i32
      %dma_start3A_163 = tpu.memref_slice %arg13[%dma_start3A_161, %dma_start3A_162] : memref<80x128xf32, #tpu.memory_space<vmem>> -> memref<80x128xf32, #tpu.memory_space<vmem>>
      %dma_start3A_164 = arith.constant 0 : i32
      %dma_start3A_165 = tpu.memref_slice %arg14[%add3A_17, %dma_start3A_164] : memref<10112x128xf32, #tpu.memory_space<vmem_shared>> -> memref<80x128xf32, #tpu.memory_space<vmem_shared>>
      %dma_start3A_166 = arith.constant 0 : i32
      %dma_start3A_167 = tpu.memref_slice %arg14[%add3A_17, %dma_start3A_166] : memref<10112x128xf32, #tpu.memory_space<vmem_shared>> -> memref<80x128xf32, #tpu.memory_space<vmem_shared>>
      %dma_start3A_168 = arith.constant 0 : i32
      %dma_start3A_169 = arith.constant 0 : i32
      %dma_start3A_170 = tpu.memref_slice %arg13[%dma_start3A_168, %dma_start3A_169] : memref<80x128xf32, #tpu.memory_space<vmem>> -> memref<80x128xf32, #tpu.memory_space<vmem>>
      tpu.enqueue_dma source(%dma_start3A_170 : memref<80x128xf32, #tpu.memory_space<vmem>>) target(%dma_start3A_167 : memref<80x128xf32, #tpu.memory_space<vmem_shared>>) target_semaphore(%run_scoped3A : memref<!tpu.dma_semaphore, #tpu.memory_space<semaphore_mem>>)
      %dma_wait3A_171 = arith.constant 0 : i32
      %dma_wait3A_172 = arith.constant 0 : i32
      %dma_wait3A_173 = tpu.memref_slice %arg13[%dma_wait3A_171, %dma_wait3A_172] : memref<80x128xf32, #tpu.memory_space<vmem>> -> memref<80x128xf32, #tpu.memory_space<vmem>>
      %dma_wait3A_174 = arith.constant 0 : i32
      %dma_wait3A_175 = tpu.memref_slice %arg14[%add3A_17, %dma_wait3A_174] : memref<10112x128xf32, #tpu.memory_space<vmem_shared>> -> memref<80x128xf32, #tpu.memory_space<vmem_shared>>
      %dma_wait3A_176 = arith.constant 0 : i32
      %dma_wait3A_177 = tpu.memref_slice %arg14[%add3A_17, %dma_wait3A_176] : memref<10112x128xf32, #tpu.memory_space<vmem_shared>> -> memref<80x128xf32, #tpu.memory_space<vmem_shared>>
      %dma_wait3A_178 = arith.constant 0 : i32
      %dma_wait3A_179 = arith.constant 0 : i32
      %dma_wait3A_180 = tpu.memref_slice %arg13[%dma_wait3A_178, %dma_wait3A_179] : memref<80x128xf32, #tpu.memory_space<vmem>> -> memref<80x128xf32, #tpu.memory_space<vmem>>
      tpu.wait_dma2 semaphore(%run_scoped3A : memref<!tpu.dma_semaphore, #tpu.memory_space<semaphore_mem>>) src(%dma_wait3A_180 : memref<80x128xf32, #tpu.memory_space<vmem>>) dst(%dma_wait3A_177 : memref<80x128xf32, #tpu.memory_space<vmem_shared>>)
      tpu.yield
    }) : () -> ()
    %add3A_18 = arith.constant 400 : i32
    %add3A_19 = arith.addi %mul3A_7, %add3A_18 : i32
    "tpu.region"() ({
      %run_scoped3A = tpu.sem_alloc : memref<!tpu.dma_semaphore, #tpu.memory_space<semaphore_mem>>
      %dma_start3A_161 = arith.constant 0 : i32
      %dma_start3A_162 = arith.constant 0 : i32
      %dma_start3A_163 = tpu.memref_slice %arg13[%dma_start3A_161, %dma_start3A_162] : memref<80x128xf32, #tpu.memory_space<vmem>> -> memref<80x128xf32, #tpu.memory_space<vmem>>
      %dma_start3A_164 = arith.constant 0 : i32
      %dma_start3A_165 = tpu.memref_slice %arg14[%add3A_19, %dma_start3A_164] : memref<10112x128xf32, #tpu.memory_space<vmem_shared>> -> memref<80x128xf32, #tpu.memory_space<vmem_shared>>
      %dma_start3A_166 = arith.constant 0 : i32
      %dma_start3A_167 = tpu.memref_slice %arg14[%add3A_19, %dma_start3A_166] : memref<10112x128xf32, #tpu.memory_space<vmem_shared>> -> memref<80x128xf32, #tpu.memory_space<vmem_shared>>
      %dma_start3A_168 = arith.constant 0 : i32
      %dma_start3A_169 = arith.constant 0 : i32
      %dma_start3A_170 = tpu.memref_slice %arg13[%dma_start3A_168, %dma_start3A_169] : memref<80x128xf32, #tpu.memory_space<vmem>> -> memref<80x128xf32, #tpu.memory_space<vmem>>
      tpu.enqueue_dma source(%dma_start3A_170 : memref<80x128xf32, #tpu.memory_space<vmem>>) target(%dma_start3A_167 : memref<80x128xf32, #tpu.memory_space<vmem_shared>>) target_semaphore(%run_scoped3A : memref<!tpu.dma_semaphore, #tpu.memory_space<semaphore_mem>>)
      %dma_wait3A_171 = arith.constant 0 : i32
      %dma_wait3A_172 = arith.constant 0 : i32
      %dma_wait3A_173 = tpu.memref_slice %arg13[%dma_wait3A_171, %dma_wait3A_172] : memref<80x128xf32, #tpu.memory_space<vmem>> -> memref<80x128xf32, #tpu.memory_space<vmem>>
      %dma_wait3A_174 = arith.constant 0 : i32
      %dma_wait3A_175 = tpu.memref_slice %arg14[%add3A_19, %dma_wait3A_174] : memref<10112x128xf32, #tpu.memory_space<vmem_shared>> -> memref<80x128xf32, #tpu.memory_space<vmem_shared>>
      %dma_wait3A_176 = arith.constant 0 : i32
      %dma_wait3A_177 = tpu.memref_slice %arg14[%add3A_19, %dma_wait3A_176] : memref<10112x128xf32, #tpu.memory_space<vmem_shared>> -> memref<80x128xf32, #tpu.memory_space<vmem_shared>>
      %dma_wait3A_178 = arith.constant 0 : i32
      %dma_wait3A_179 = arith.constant 0 : i32
      %dma_wait3A_180 = tpu.memref_slice %arg13[%dma_wait3A_178, %dma_wait3A_179] : memref<80x128xf32, #tpu.memory_space<vmem>> -> memref<80x128xf32, #tpu.memory_space<vmem>>
      tpu.wait_dma2 semaphore(%run_scoped3A : memref<!tpu.dma_semaphore, #tpu.memory_space<semaphore_mem>>) src(%dma_wait3A_180 : memref<80x128xf32, #tpu.memory_space<vmem>>) dst(%dma_wait3A_177 : memref<80x128xf32, #tpu.memory_space<vmem_shared>>)
      tpu.yield
    }) : () -> ()
    %add3A_20 = arith.constant 480 : i32
    %add3A_21 = arith.addi %mul3A_7, %add3A_20 : i32
    "tpu.region"() ({
      %run_scoped3A = tpu.sem_alloc : memref<!tpu.dma_semaphore, #tpu.memory_space<semaphore_mem>>
      %dma_start3A_161 = arith.constant 0 : i32
      %dma_start3A_162 = arith.constant 0 : i32
      %dma_start3A_163 = tpu.memref_slice %arg13[%dma_start3A_161, %dma_start3A_162] : memref<80x128xf32, #tpu.memory_space<vmem>> -> memref<80x128xf32, #tpu.memory_space<vmem>>
      %dma_start3A_164 = arith.constant 0 : i32
      %dma_start3A_165 = tpu.memref_slice %arg14[%add3A_21, %dma_start3A_164] : memref<10112x128xf32, #tpu.memory_space<vmem_shared>> -> memref<80x128xf32, #tpu.memory_space<vmem_shared>>
      %dma_start3A_166 = arith.constant 0 : i32
      %dma_start3A_167 = tpu.memref_slice %arg14[%add3A_21, %dma_start3A_166] : memref<10112x128xf32, #tpu.memory_space<vmem_shared>> -> memref<80x128xf32, #tpu.memory_space<vmem_shared>>
      %dma_start3A_168 = arith.constant 0 : i32
      %dma_start3A_169 = arith.constant 0 : i32
      %dma_start3A_170 = tpu.memref_slice %arg13[%dma_start3A_168, %dma_start3A_169] : memref<80x128xf32, #tpu.memory_space<vmem>> -> memref<80x128xf32, #tpu.memory_space<vmem>>
      tpu.enqueue_dma source(%dma_start3A_170 : memref<80x128xf32, #tpu.memory_space<vmem>>) target(%dma_start3A_167 : memref<80x128xf32, #tpu.memory_space<vmem_shared>>) target_semaphore(%run_scoped3A : memref<!tpu.dma_semaphore, #tpu.memory_space<semaphore_mem>>)
      %dma_wait3A_171 = arith.constant 0 : i32
      %dma_wait3A_172 = arith.constant 0 : i32
      %dma_wait3A_173 = tpu.memref_slice %arg13[%dma_wait3A_171, %dma_wait3A_172] : memref<80x128xf32, #tpu.memory_space<vmem>> -> memref<80x128xf32, #tpu.memory_space<vmem>>
      %dma_wait3A_174 = arith.constant 0 : i32
      %dma_wait3A_175 = tpu.memref_slice %arg14[%add3A_21, %dma_wait3A_174] : memref<10112x128xf32, #tpu.memory_space<vmem_shared>> -> memref<80x128xf32, #tpu.memory_space<vmem_shared>>
      %dma_wait3A_176 = arith.constant 0 : i32
      %dma_wait3A_177 = tpu.memref_slice %arg14[%add3A_21, %dma_wait3A_176] : memref<10112x128xf32, #tpu.memory_space<vmem_shared>> -> memref<80x128xf32, #tpu.memory_space<vmem_shared>>
      %dma_wait3A_178 = arith.constant 0 : i32
      %dma_wait3A_179 = arith.constant 0 : i32
      %dma_wait3A_180 = tpu.memref_slice %arg13[%dma_wait3A_178, %dma_wait3A_179] : memref<80x128xf32, #tpu.memory_space<vmem>> -> memref<80x128xf32, #tpu.memory_space<vmem>>
      tpu.wait_dma2 semaphore(%run_scoped3A : memref<!tpu.dma_semaphore, #tpu.memory_space<semaphore_mem>>) src(%dma_wait3A_180 : memref<80x128xf32, #tpu.memory_space<vmem>>) dst(%dma_wait3A_177 : memref<80x128xf32, #tpu.memory_space<vmem_shared>>)
      tpu.yield
    }) : () -> ()
    %add3A_22 = arith.constant 560 : i32
    %add3A_23 = arith.addi %mul3A_7, %add3A_22 : i32
    "tpu.region"() ({
      %run_scoped3A = tpu.sem_alloc : memref<!tpu.dma_semaphore, #tpu.memory_space<semaphore_mem>>
      %dma_start3A_161 = arith.constant 0 : i32
      %dma_start3A_162 = arith.constant 0 : i32
      %dma_start3A_163 = tpu.memref_slice %arg13[%dma_start3A_161, %dma_start3A_162] : memref<80x128xf32, #tpu.memory_space<vmem>> -> memref<72x128xf32, #tpu.memory_space<vmem>>
      %dma_start3A_164 = arith.constant 0 : i32
      %dma_start3A_165 = tpu.memref_slice %arg14[%add3A_23, %dma_start3A_164] : memref<10112x128xf32, #tpu.memory_space<vmem_shared>> -> memref<72x128xf32, #tpu.memory_space<vmem_shared>>
      %dma_start3A_166 = arith.constant 0 : i32
      %dma_start3A_167 = tpu.memref_slice %arg14[%add3A_23, %dma_start3A_166] : memref<10112x128xf32, #tpu.memory_space<vmem_shared>> -> memref<72x128xf32, #tpu.memory_space<vmem_shared>>
      %dma_start3A_168 = arith.constant 0 : i32
      %dma_start3A_169 = arith.constant 0 : i32
      %dma_start3A_170 = tpu.memref_slice %arg13[%dma_start3A_168, %dma_start3A_169] : memref<80x128xf32, #tpu.memory_space<vmem>> -> memref<72x128xf32, #tpu.memory_space<vmem>>
      tpu.enqueue_dma source(%dma_start3A_170 : memref<72x128xf32, #tpu.memory_space<vmem>>) target(%dma_start3A_167 : memref<72x128xf32, #tpu.memory_space<vmem_shared>>) target_semaphore(%run_scoped3A : memref<!tpu.dma_semaphore, #tpu.memory_space<semaphore_mem>>)
      %dma_wait3A_171 = arith.constant 0 : i32
      %dma_wait3A_172 = arith.constant 0 : i32
      %dma_wait3A_173 = tpu.memref_slice %arg13[%dma_wait3A_171, %dma_wait3A_172] : memref<80x128xf32, #tpu.memory_space<vmem>> -> memref<72x128xf32, #tpu.memory_space<vmem>>
      %dma_wait3A_174 = arith.constant 0 : i32
      %dma_wait3A_175 = tpu.memref_slice %arg14[%add3A_23, %dma_wait3A_174] : memref<10112x128xf32, #tpu.memory_space<vmem_shared>> -> memref<72x128xf32, #tpu.memory_space<vmem_shared>>
      %dma_wait3A_176 = arith.constant 0 : i32
      %dma_wait3A_177 = tpu.memref_slice %arg14[%add3A_23, %dma_wait3A_176] : memref<10112x128xf32, #tpu.memory_space<vmem_shared>> -> memref<72x128xf32, #tpu.memory_space<vmem_shared>>
      %dma_wait3A_178 = arith.constant 0 : i32
      %dma_wait3A_179 = arith.constant 0 : i32
      %dma_wait3A_180 = tpu.memref_slice %arg13[%dma_wait3A_178, %dma_wait3A_179] : memref<80x128xf32, #tpu.memory_space<vmem>> -> memref<72x128xf32, #tpu.memory_space<vmem>>
      tpu.wait_dma2 semaphore(%run_scoped3A : memref<!tpu.dma_semaphore, #tpu.memory_space<semaphore_mem>>) src(%dma_wait3A_180 : memref<72x128xf32, #tpu.memory_space<vmem>>) dst(%dma_wait3A_177 : memref<72x128xf32, #tpu.memory_space<vmem_shared>>)
      tpu.yield
    }) : () -> ()
    %mul3A_24 = arith.constant 125 : i32
    %mul3A_25 = arith.muli %add3A, %mul3A_24 : i32
    "tpu.region"() ({
      %run_scoped3A = tpu.sem_alloc : memref<!tpu.dma_semaphore, #tpu.memory_space<semaphore_mem>>
      %dma_start3A_161 = arith.constant 0 : i32
      %dma_start3A_162 = arith.constant 0 : i32
      %dma_start3A_163 = tpu.memref_slice %arg4[%add3A, %dma_start3A_161, %dma_start3A_162] : memref<32x125x80xi32, #tpu.memory_space<hbm>> -> memref<1x125x80xi32, #tpu.memory_space<hbm>>
      %dma_start3A_164 = tpu.memref_squeeze %dma_start3A_163 : memref<1x125x80xi32, #tpu.memory_space<hbm>> -> memref<125x80xi32, #tpu.memory_space<hbm>>
      %dma_start3A_165 = arith.constant 0 : i32
      %dma_start3A_166 = arith.constant 0 : i32
      %dma_start3A_167 = tpu.memref_slice %arg4[%add3A, %dma_start3A_165, %dma_start3A_166] : memref<32x125x80xi32, #tpu.memory_space<hbm>> -> memref<1x125x80xi32, #tpu.memory_space<hbm>>
      %dma_start3A_168 = tpu.memref_squeeze %dma_start3A_167 : memref<1x125x80xi32, #tpu.memory_space<hbm>> -> memref<125x80xi32, #tpu.memory_space<hbm>>
      tpu.enqueue_dma source(%dma_start3A_168 : memref<125x80xi32, #tpu.memory_space<hbm>>) target(%arg6 : memref<125x80xi32, #tpu.memory_space<vmem>>) target_semaphore(%run_scoped3A : memref<!tpu.dma_semaphore, #tpu.memory_space<semaphore_mem>>)
      %dma_wait3A_169 = arith.constant 0 : i32
      %dma_wait3A_170 = arith.constant 0 : i32
      %dma_wait3A_171 = tpu.memref_slice %arg4[%add3A, %dma_wait3A_169, %dma_wait3A_170] : memref<32x125x80xi32, #tpu.memory_space<hbm>> -> memref<1x125x80xi32, #tpu.memory_space<hbm>>
      %dma_wait3A_172 = tpu.memref_squeeze %dma_wait3A_171 : memref<1x125x80xi32, #tpu.memory_space<hbm>> -> memref<125x80xi32, #tpu.memory_space<hbm>>
      %dma_wait3A_173 = arith.constant 0 : i32
      %dma_wait3A_174 = arith.constant 0 : i32
      %dma_wait3A_175 = tpu.memref_slice %arg4[%add3A, %dma_wait3A_173, %dma_wait3A_174] : memref<32x125x80xi32, #tpu.memory_space<hbm>> -> memref<1x125x80xi32, #tpu.memory_space<hbm>>
      %dma_wait3A_176 = tpu.memref_squeeze %dma_wait3A_175 : memref<1x125x80xi32, #tpu.memory_space<hbm>> -> memref<125x80xi32, #tpu.memory_space<hbm>>
      tpu.wait_dma2 semaphore(%run_scoped3A : memref<!tpu.dma_semaphore, #tpu.memory_space<semaphore_mem>>) src(%dma_wait3A_176 : memref<125x80xi32, #tpu.memory_space<hbm>>) dst(%arg6 : memref<125x80xi32, #tpu.memory_space<vmem>>)
      tpu.yield
    }) : () -> ()
    %barrier3A = arith.constant 0 : index
    tpu.barrier barrier_id(%barrier3A)
    %get3A = arith.constant 0 : i32
    %get3A_26 = arith.index_cast %get3A : i32 to index
    %get3A_27 = arith.constant 0 : index
    %get3A_28 = tpu.vector_load %arg6[%get3A_26, %get3A_27] {strides = array<i32>} : memref<125x80xi32, #tpu.memory_space<vmem>>, vector<1x16xi32>,
    %get3A_29 = vector.shape_cast %get3A_28 : vector<1x16xi32> to vector<16xi32>
    %and3A = arith.constant 65535 : i32
    %and3A_30 = vector.broadcast %and3A : i32 to vector<16xi32>
    %and3A_31 = arith.andi %get3A_29, %and3A_30 : vector<16xi32>
    %swap3A = arith.constant 0 : index
    %swap3A_32 = tpu.vector_load %arg7[%swap3A] {strides = array<i32>} : memref<80xi32, #tpu.memory_space<vmem>>, vector<16xi32>,
    %swap3A_33 = vector.shape_cast %swap3A_32 : vector<16xi32> to vector<16xi32>
    %swap3A_34 = vector.shape_cast %and3A_31 : vector<16xi32> to vector<16xi32>
    tpu.vector_store %arg7[%swap3A], %swap3A_34 {strides = array<i32>} : memref<80xi32, #tpu.memory_space<vmem>>, vector<16xi32>,
    %shift_right_logical3A = arith.constant 16 : i32
    %shift_right_logical3A_35 = vector.broadcast %shift_right_logical3A : i32 to vector<16xi32>
    %shift_right_logical3A_36 = arith.shrui %get3A_29, %shift_right_logical3A_35 : vector<16xi32>
    %swap3A_37 = arith.constant 0 : index
    %swap3A_38 = tpu.vector_load %arg9[%swap3A_37] {strides = array<i32>} : memref<80xi32, #tpu.memory_space<vmem>>, vector<16xi32>,
    %swap3A_39 = vector.shape_cast %swap3A_38 : vector<16xi32> to vector<16xi32>
    %swap3A_40 = vector.shape_cast %shift_right_logical3A_36 : vector<16xi32> to vector<16xi32>
    tpu.vector_store %arg9[%swap3A_37], %swap3A_40 {strides = array<i32>} : memref<80xi32, #tpu.memory_space<vmem>>, vector<16xi32>,
    %get3A_41 = arith.constant 0 : i32
    %get3A_42 = arith.index_cast %get3A_41 : i32 to index
    %get3A_43 = arith.constant 16 : index
    %get3A_44 = tpu.vector_load %arg6[%get3A_42, %get3A_43] {strides = array<i32>} : memref<125x80xi32, #tpu.memory_space<vmem>>, vector<1x16xi32>,
    %get3A_45 = vector.shape_cast %get3A_44 : vector<1x16xi32> to vector<16xi32>
    %and3A_46 = arith.constant 65535 : i32
    %and3A_47 = vector.broadcast %and3A_46 : i32 to vector<16xi32>
    %and3A_48 = arith.andi %get3A_45, %and3A_47 : vector<16xi32>
    %swap3A_49 = arith.constant 16 : index
    %swap3A_50 = tpu.vector_load %arg7[%swap3A_49] {strides = array<i32>} : memref<80xi32, #tpu.memory_space<vmem>>, vector<16xi32>,
    %swap3A_51 = vector.shape_cast %swap3A_50 : vector<16xi32> to vector<16xi32>
    %swap3A_52 = vector.shape_cast %and3A_48 : vector<16xi32> to vector<16xi32>
    tpu.vector_store %arg7[%swap3A_49], %swap3A_52 {strides = array<i32>} : memref<80xi32, #tpu.memory_space<vmem>>, vector<16xi32>,
    %shift_right_logical3A_53 = arith.constant 16 : i32
    %shift_right_logical3A_54 = vector.broadcast %shift_right_logical3A_53 : i32 to vector<16xi32>
    %shift_right_logical3A_55 = arith.shrui %get3A_45, %shift_right_logical3A_54 : vector<16xi32>
    %swap3A_56 = arith.constant 16 : index
    %swap3A_57 = tpu.vector_load %arg9[%swap3A_56] {strides = array<i32>} : memref<80xi32, #tpu.memory_space<vmem>>, vector<16xi32>,
    %swap3A_58 = vector.shape_cast %swap3A_57 : vector<16xi32> to vector<16xi32>
    %swap3A_59 = vector.shape_cast %shift_right_logical3A_55 : vector<16xi32> to vector<16xi32>
    tpu.vector_store %arg9[%swap3A_56], %swap3A_59 {strides = array<i32>} : memref<80xi32, #tpu.memory_space<vmem>>, vector<16xi32>,
    %get3A_60 = arith.constant 0 : i32
    %get3A_61 = arith.index_cast %get3A_60 : i32 to index
    %get3A_62 = arith.constant 32 : index
    %get3A_63 = tpu.vector_load %arg6[%get3A_61, %get3A_62] {strides = array<i32>} : memref<125x80xi32, #tpu.memory_space<vmem>>, vector<1x16xi32>,
    %get3A_64 = vector.shape_cast %get3A_63 : vector<1x16xi32> to vector<16xi32>
    %and3A_65 = arith.constant 65535 : i32
    %and3A_66 = vector.broadcast %and3A_65 : i32 to vector<16xi32>
    %and3A_67 = arith.andi %get3A_64, %and3A_66 : vector<16xi32>
    %swap3A_68 = arith.constant 32 : index
    %swap3A_69 = tpu.vector_load %arg7[%swap3A_68] {strides = array<i32>} : memref<80xi32, #tpu.memory_space<vmem>>, vector<16xi32>,
    %swap3A_70 = vector.shape_cast %swap3A_69 : vector<16xi32> to vector<16xi32>
    %swap3A_71 = vector.shape_cast %and3A_67 : vector<16xi32> to vector<16xi32>
    tpu.vector_store %arg7[%swap3A_68], %swap3A_71 {strides = array<i32>} : memref<80xi32, #tpu.memory_space<vmem>>, vector<16xi32>,
    %shift_right_logical3A_72 = arith.constant 16 : i32
    %shift_right_logical3A_73 = vector.broadcast %shift_right_logical3A_72 : i32 to vector<16xi32>
    %shift_right_logical3A_74 = arith.shrui %get3A_64, %shift_right_logical3A_73 : vector<16xi32>
    %swap3A_75 = arith.constant 32 : index
    %swap3A_76 = tpu.vector_load %arg9[%swap3A_75] {strides = array<i32>} : memref<80xi32, #tpu.memory_space<vmem>>, vector<16xi32>,
    %swap3A_77 = vector.shape_cast %swap3A_76 : vector<16xi32> to vector<16xi32>
    %swap3A_78 = vector.shape_cast %shift_right_logical3A_74 : vector<16xi32> to vector<16xi32>
    tpu.vector_store %arg9[%swap3A_75], %swap3A_78 {strides = array<i32>} : memref<80xi32, #tpu.memory_space<vmem>>, vector<16xi32>,
    %get3A_79 = arith.constant 0 : i32
    %get3A_80 = arith.index_cast %get3A_79 : i32 to index
    %get3A_81 = arith.constant 48 : index
    %get3A_82 = tpu.vector_load %arg6[%get3A_80, %get3A_81] {strides = array<i32>} : memref<125x80xi32, #tpu.memory_space<vmem>>, vector<1x16xi32>,
    %get3A_83 = vector.shape_cast %get3A_82 : vector<1x16xi32> to vector<16xi32>
    %and3A_84 = arith.constant 65535 : i32
    %and3A_85 = vector.broadcast %and3A_84 : i32 to vector<16xi32>
    %and3A_86 = arith.andi %get3A_83, %and3A_85 : vector<16xi32>
    %swap3A_87 = arith.constant 48 : index
    %swap3A_88 = tpu.vector_load %arg7[%swap3A_87] {strides = array<i32>} : memref<80xi32, #tpu.memory_space<vmem>>, vector<16xi32>,
    %swap3A_89 = vector.shape_cast %swap3A_88 : vector<16xi32> to vector<16xi32>
    %swap3A_90 = vector.shape_cast %and3A_86 : vector<16xi32> to vector<16xi32>
    tpu.vector_store %arg7[%swap3A_87], %swap3A_90 {strides = array<i32>} : memref<80xi32, #tpu.memory_space<vmem>>, vector<16xi32>,
    %shift_right_logical3A_91 = arith.constant 16 : i32
    %shift_right_logical3A_92 = vector.broadcast %shift_right_logical3A_91 : i32 to vector<16xi32>
    %shift_right_logical3A_93 = arith.shrui %get3A_83, %shift_right_logical3A_92 : vector<16xi32>
    %swap3A_94 = arith.constant 48 : index
    %swap3A_95 = tpu.vector_load %arg9[%swap3A_94] {strides = array<i32>} : memref<80xi32, #tpu.memory_space<vmem>>, vector<16xi32>,
    %swap3A_96 = vector.shape_cast %swap3A_95 : vector<16xi32> to vector<16xi32>
    %swap3A_97 = vector.shape_cast %shift_right_logical3A_93 : vector<16xi32> to vector<16xi32>
    tpu.vector_store %arg9[%swap3A_94], %swap3A_97 {strides = array<i32>} : memref<80xi32, #tpu.memory_space<vmem>>, vector<16xi32>,
    %get3A_98 = arith.constant 0 : i32
    %get3A_99 = arith.index_cast %get3A_98 : i32 to index
    %get3A_100 = arith.constant 64 : index
    %get3A_101 = tpu.vector_load %arg6[%get3A_99, %get3A_100] {strides = array<i32>} : memref<125x80xi32, #tpu.memory_space<vmem>>, vector<1x16xi32>,
    %get3A_102 = vector.shape_cast %get3A_101 : vector<1x16xi32> to vector<16xi32>
    %and3A_103 = arith.constant 65535 : i32
    %and3A_104 = vector.broadcast %and3A_103 : i32 to vector<16xi32>
    %and3A_105 = arith.andi %get3A_102, %and3A_104 : vector<16xi32>
    %swap3A_106 = arith.constant 64 : index
    %swap3A_107 = tpu.vector_load %arg7[%swap3A_106] {strides = array<i32>} : memref<80xi32, #tpu.memory_space<vmem>>, vector<16xi32>,
    %swap3A_108 = vector.shape_cast %swap3A_107 : vector<16xi32> to vector<16xi32>
    %swap3A_109 = vector.shape_cast %and3A_105 : vector<16xi32> to vector<16xi32>
    tpu.vector_store %arg7[%swap3A_106], %swap3A_109 {strides = array<i32>} : memref<80xi32, #tpu.memory_space<vmem>>, vector<16xi32>,
    %shift_right_logical3A_110 = arith.constant 16 : i32
    %shift_right_logical3A_111 = vector.broadcast %shift_right_logical3A_110 : i32 to vector<16xi32>
    %shift_right_logical3A_112 = arith.shrui %get3A_102, %shift_right_logical3A_111 : vector<16xi32>
    %swap3A_113 = arith.constant 64 : index
    %swap3A_114 = tpu.vector_load %arg9[%swap3A_113] {strides = array<i32>} : memref<80xi32, #tpu.memory_space<vmem>>, vector<16xi32>,
    %swap3A_115 = vector.shape_cast %swap3A_114 : vector<16xi32> to vector<16xi32>
    %swap3A_116 = vector.shape_cast %shift_right_logical3A_112 : vector<16xi32> to vector<16xi32>
    tpu.vector_store %arg9[%swap3A_113], %swap3A_116 {strides = array<i32>} : memref<80xi32, #tpu.memory_space<vmem>>, vector<16xi32>,
    %dma_start3A = arith.constant 0 : i32
    %dma_start3A_117 = arith.constant 0 : i32
    %dma_start3A_118 = tpu.memref_slice %arg2[%dma_start3A, %dma_start3A_117] : memref<10000x128xf32, #tpu.memory_space<hbm>> -> memref<10000x128xf32, #tpu.memory_space<hbm>>
    tpu.enqueue_indirect_dma source(%dma_start3A_118 : memref<10000x128xf32, #tpu.memory_space<hbm>>) target(%arg11 : memref<80x128xf32, #tpu.memory_space<vmem>>) offsets(%arg7 : memref<80xi32, #tpu.memory_space<vmem>>) semaphore(%arg15 : memref<!tpu.dma_semaphore, #tpu.memory_space<semaphore_mem>>)
    %add3A_119 = arith.constant 0 : i32
    %add3A_120 = arith.addi %mul3A_25, %add3A_119 : i32
    %dma_start3A_121 = arith.constant 0 : i32
    %dma_start3A_122 = arith.constant 0 : i32
    %dma_start3A_123 = tpu.memref_slice %arg3[%add3A_120, %dma_start3A_121, %dma_start3A_122] : memref<4000x80x128xf32, #tpu.memory_space<hbm>> -> memref<1x80x128xf32, #tpu.memory_space<hbm>>
    %dma_start3A_124 = tpu.memref_squeeze %dma_start3A_123 : memref<1x80x128xf32, #tpu.memory_space<hbm>> -> memref<80x128xf32, #tpu.memory_space<hbm>>
    %dma_start3A_125 = arith.constant 0 : i32
    %dma_start3A_126 = arith.constant 0 : i32
    %dma_start3A_127 = tpu.memref_slice %arg3[%add3A_120, %dma_start3A_125, %dma_start3A_126] : memref<4000x80x128xf32, #tpu.memory_space<hbm>> -> memref<1x80x128xf32, #tpu.memory_space<hbm>>
    %dma_start3A_128 = tpu.memref_squeeze %dma_start3A_127 : memref<1x80x128xf32, #tpu.memory_space<hbm>> -> memref<80x128xf32, #tpu.memory_space<hbm>>
    tpu.enqueue_dma source(%dma_start3A_128 : memref<80x128xf32, #tpu.memory_space<hbm>>) target(%arg13 : memref<80x128xf32, #tpu.memory_space<vmem>>) target_semaphore(%arg17 : memref<!tpu.dma_semaphore, #tpu.memory_space<semaphore_mem>>)
    %scan3A_129 = arith.constant 0 : i32
    %scan3A_130 = arith.constant 0 : i32
    %scan3A_131 = arith.constant 62 : i32
    %scan3A_132 = arith.addi %scan3A_130, %scan3A_131 : i32
    %scan3A_133 = arith.constant 1 : i32
    scf.for %scan3A_161 = %scan3A_130 to %scan3A_132 step %scan3A_133  : i32 {
      %mul3A_162 = arith.constant 2 : i32
      %mul3A_163 = arith.muli %mul3A_162, %scan3A_161 : i32
      %add3A_164 = arith.constant 0 : i32
      %add3A_165 = arith.addi %mul3A_163, %add3A_164 : i32
      %gt3A = arith.constant 0 : i32
      %gt3A_166 = arith.cmpi sgt, %scan3A_161, %gt3A : i32
      %convert_element_type3A = arith.extui %gt3A_166 : i1 to i32
      %cond3A = arith.constant 0 : i32
      %cond3A_167 = arith.cmpi ne, %convert_element_type3A, %cond3A : i32
      scf.if %cond3A_167 {
        %dma_wait3A_427 = arith.constant 0 : i32
        %dma_wait3A_428 = arith.constant 0 : i32
        %dma_wait3A_429 = tpu.memref_slice %arg14[%dma_wait3A_427, %dma_wait3A_428] : memref<10112x128xf32, #tpu.memory_space<vmem_shared>> -> memref<10112x128xf32, #tpu.memory_space<vmem_shared>>
        tpu.wait_indirect_dma semaphore(%arg19 : memref<!tpu.dma_semaphore, #tpu.memory_space<semaphore_mem>>) src(%arg12 : memref<80x128xf32, #tpu.memory_space<vmem>>) dst(%dma_wait3A_429 : memref<10112x128xf32, #tpu.memory_space<vmem_shared>>)
      } else {
      }
      %add3A_168 = arith.constant 1 : i32
      %add3A_169 = arith.addi %add3A_165, %add3A_168 : i32
      %get3A_170 = arith.index_cast %add3A_169 : i32 to index
      %get3A_171 = arith.constant 0 : index
      %get3A_172 = tpu.vector_load %arg6[%get3A_170, %get3A_171] {strides = array<i32>} : memref<125x80xi32, #tpu.memory_space<vmem>>, vector<1x16xi32>,
      %get3A_173 = vector.shape_cast %get3A_172 : vector<1x16xi32> to vector<16xi32>
      %and3A_174 = arith.constant 65535 : i32
      %and3A_175 = vector.broadcast %and3A_174 : i32 to vector<16xi32>
      %and3A_176 = arith.andi %get3A_173, %and3A_175 : vector<16xi32>
      %swap3A_177 = arith.constant 0 : index
      %swap3A_178 = tpu.vector_load %arg8[%swap3A_177] {strides = array<i32>} : memref<80xi32, #tpu.memory_space<vmem>>, vector<16xi32>,
      %swap3A_179 = vector.shape_cast %swap3A_178 : vector<16xi32> to vector<16xi32>
      %swap3A_180 = vector.shape_cast %and3A_176 : vector<16xi32> to vector<16xi32>
      tpu.vector_store %arg8[%swap3A_177], %swap3A_180 {strides = array<i32>} : memref<80xi32, #tpu.memory_space<vmem>>, vector<16xi32>,
      %shift_right_logical3A_181 = arith.constant 16 : i32
      %shift_right_logical3A_182 = vector.broadcast %shift_right_logical3A_181 : i32 to vector<16xi32>
      %shift_right_logical3A_183 = arith.shrui %get3A_173, %shift_right_logical3A_182 : vector<16xi32>
      %swap3A_184 = arith.constant 0 : index
      %swap3A_185 = tpu.vector_load %arg10[%swap3A_184] {strides = array<i32>} : memref<80xi32, #tpu.memory_space<vmem>>, vector<16xi32>,
      %swap3A_186 = vector.shape_cast %swap3A_185 : vector<16xi32> to vector<16xi32>
      %swap3A_187 = vector.shape_cast %shift_right_logical3A_183 : vector<16xi32> to vector<16xi32>
      tpu.vector_store %arg10[%swap3A_184], %swap3A_187 {strides = array<i32>} : memref<80xi32, #tpu.memory_space<vmem>>, vector<16xi32>,
      %get3A_188 = arith.index_cast %add3A_169 : i32 to index
      %get3A_189 = arith.constant 16 : index
      %get3A_190 = tpu.vector_load %arg6[%get3A_188, %get3A_189] {strides = array<i32>} : memref<125x80xi32, #tpu.memory_space<vmem>>, vector<1x16xi32>,
      %get3A_191 = vector.shape_cast %get3A_190 : vector<1x16xi32> to vector<16xi32>
      %and3A_192 = arith.constant 65535 : i32
      %and3A_193 = vector.broadcast %and3A_192 : i32 to vector<16xi32>
      %and3A_194 = arith.andi %get3A_191, %and3A_193 : vector<16xi32>
      %swap3A_195 = arith.constant 16 : index
      %swap3A_196 = tpu.vector_load %arg8[%swap3A_195] {strides = array<i32>} : memref<80xi32, #tpu.memory_space<vmem>>, vector<16xi32>,
      %swap3A_197 = vector.shape_cast %swap3A_196 : vector<16xi32> to vector<16xi32>
      %swap3A_198 = vector.shape_cast %and3A_194 : vector<16xi32> to vector<16xi32>
      tpu.vector_store %arg8[%swap3A_195], %swap3A_198 {strides = array<i32>} : memref<80xi32, #tpu.memory_space<vmem>>, vector<16xi32>,
      %shift_right_logical3A_199 = arith.constant 16 : i32
      %shift_right_logical3A_200 = vector.broadcast %shift_right_logical3A_199 : i32 to vector<16xi32>
      %shift_right_logical3A_201 = arith.shrui %get3A_191, %shift_right_logical3A_200 : vector<16xi32>
      %swap3A_202 = arith.constant 16 : index
      %swap3A_203 = tpu.vector_load %arg10[%swap3A_202] {strides = array<i32>} : memref<80xi32, #tpu.memory_space<vmem>>, vector<16xi32>,
      %swap3A_204 = vector.shape_cast %swap3A_203 : vector<16xi32> to vector<16xi32>
      %swap3A_205 = vector.shape_cast %shift_right_logical3A_201 : vector<16xi32> to vector<16xi32>
      tpu.vector_store %arg10[%swap3A_202], %swap3A_205 {strides = array<i32>} : memref<80xi32, #tpu.memory_space<vmem>>, vector<16xi32>,
      %get3A_206 = arith.index_cast %add3A_169 : i32 to index
      %get3A_207 = arith.constant 32 : index
      %get3A_208 = tpu.vector_load %arg6[%get3A_206, %get3A_207] {strides = array<i32>} : memref<125x80xi32, #tpu.memory_space<vmem>>, vector<1x16xi32>,
      %get3A_209 = vector.shape_cast %get3A_208 : vector<1x16xi32> to vector<16xi32>
      %and3A_210 = arith.constant 65535 : i32
      %and3A_211 = vector.broadcast %and3A_210 : i32 to vector<16xi32>
      %and3A_212 = arith.andi %get3A_209, %and3A_211 : vector<16xi32>
      %swap3A_213 = arith.constant 32 : index
      %swap3A_214 = tpu.vector_load %arg8[%swap3A_213] {strides = array<i32>} : memref<80xi32, #tpu.memory_space<vmem>>, vector<16xi32>,
      %swap3A_215 = vector.shape_cast %swap3A_214 : vector<16xi32> to vector<16xi32>
      %swap3A_216 = vector.shape_cast %and3A_212 : vector<16xi32> to vector<16xi32>
      tpu.vector_store %arg8[%swap3A_213], %swap3A_216 {strides = array<i32>} : memref<80xi32, #tpu.memory_space<vmem>>, vector<16xi32>,
      %shift_right_logical3A_217 = arith.constant 16 : i32
      %shift_right_logical3A_218 = vector.broadcast %shift_right_logical3A_217 : i32 to vector<16xi32>
      %shift_right_logical3A_219 = arith.shrui %get3A_209, %shift_right_logical3A_218 : vector<16xi32>
      %swap3A_220 = arith.constant 32 : index
      %swap3A_221 = tpu.vector_load %arg10[%swap3A_220] {strides = array<i32>} : memref<80xi32, #tpu.memory_space<vmem>>, vector<16xi32>,
      %swap3A_222 = vector.shape_cast %swap3A_221 : vector<16xi32> to vector<16xi32>
      %swap3A_223 = vector.shape_cast %shift_right_logical3A_219 : vector<16xi32> to vector<16xi32>
      tpu.vector_store %arg10[%swap3A_220], %swap3A_223 {strides = array<i32>} : memref<80xi32, #tpu.memory_space<vmem>>, vector<16xi32>,
      %get3A_224 = arith.index_cast %add3A_169 : i32 to index
      %get3A_225 = arith.constant 48 : index
      %get3A_226 = tpu.vector_load %arg6[%get3A_224, %get3A_225] {strides = array<i32>} : memref<125x80xi32, #tpu.memory_space<vmem>>, vector<1x16xi32>,
      %get3A_227 = vector.shape_cast %get3A_226 : vector<1x16xi32> to vector<16xi32>
      %and3A_228 = arith.constant 65535 : i32
      %and3A_229 = vector.broadcast %and3A_228 : i32 to vector<16xi32>
      %and3A_230 = arith.andi %get3A_227, %and3A_229 : vector<16xi32>
      %swap3A_231 = arith.constant 48 : index
      %swap3A_232 = tpu.vector_load %arg8[%swap3A_231] {strides = array<i32>} : memref<80xi32, #tpu.memory_space<vmem>>, vector<16xi32>,
      %swap3A_233 = vector.shape_cast %swap3A_232 : vector<16xi32> to vector<16xi32>
      %swap3A_234 = vector.shape_cast %and3A_230 : vector<16xi32> to vector<16xi32>
      tpu.vector_store %arg8[%swap3A_231], %swap3A_234 {strides = array<i32>} : memref<80xi32, #tpu.memory_space<vmem>>, vector<16xi32>,
      %shift_right_logical3A_235 = arith.constant 16 : i32
      %shift_right_logical3A_236 = vector.broadcast %shift_right_logical3A_235 : i32 to vector<16xi32>
      %shift_right_logical3A_237 = arith.shrui %get3A_227, %shift_right_logical3A_236 : vector<16xi32>
      %swap3A_238 = arith.constant 48 : index
      %swap3A_239 = tpu.vector_load %arg10[%swap3A_238] {strides = array<i32>} : memref<80xi32, #tpu.memory_space<vmem>>, vector<16xi32>,
      %swap3A_240 = vector.shape_cast %swap3A_239 : vector<16xi32> to vector<16xi32>
      %swap3A_241 = vector.shape_cast %shift_right_logical3A_237 : vector<16xi32> to vector<16xi32>
      tpu.vector_store %arg10[%swap3A_238], %swap3A_241 {strides = array<i32>} : memref<80xi32, #tpu.memory_space<vmem>>, vector<16xi32>,
      %get3A_242 = arith.index_cast %add3A_169 : i32 to index
      %get3A_243 = arith.constant 64 : index
      %get3A_244 = tpu.vector_load %arg6[%get3A_242, %get3A_243] {strides = array<i32>} : memref<125x80xi32, #tpu.memory_space<vmem>>, vector<1x16xi32>,
      %get3A_245 = vector.shape_cast %get3A_244 : vector<1x16xi32> to vector<16xi32>
      %and3A_246 = arith.constant 65535 : i32
      %and3A_247 = vector.broadcast %and3A_246 : i32 to vector<16xi32>
      %and3A_248 = arith.andi %get3A_245, %and3A_247 : vector<16xi32>
      %swap3A_249 = arith.constant 64 : index
      %swap3A_250 = tpu.vector_load %arg8[%swap3A_249] {strides = array<i32>} : memref<80xi32, #tpu.memory_space<vmem>>, vector<16xi32>,
      %swap3A_251 = vector.shape_cast %swap3A_250 : vector<16xi32> to vector<16xi32>
      %swap3A_252 = vector.shape_cast %and3A_248 : vector<16xi32> to vector<16xi32>
      tpu.vector_store %arg8[%swap3A_249], %swap3A_252 {strides = array<i32>} : memref<80xi32, #tpu.memory_space<vmem>>, vector<16xi32>,
      %shift_right_logical3A_253 = arith.constant 16 : i32
      %shift_right_logical3A_254 = vector.broadcast %shift_right_logical3A_253 : i32 to vector<16xi32>
      %shift_right_logical3A_255 = arith.shrui %get3A_245, %shift_right_logical3A_254 : vector<16xi32>
      %swap3A_256 = arith.constant 64 : index
      %swap3A_257 = tpu.vector_load %arg10[%swap3A_256] {strides = array<i32>} : memref<80xi32, #tpu.memory_space<vmem>>, vector<16xi32>,
      %swap3A_258 = vector.shape_cast %swap3A_257 : vector<16xi32> to vector<16xi32>
      %swap3A_259 = vector.shape_cast %shift_right_logical3A_255 : vector<16xi32> to vector<16xi32>
      tpu.vector_store %arg10[%swap3A_256], %swap3A_259 {strides = array<i32>} : memref<80xi32, #tpu.memory_space<vmem>>, vector<16xi32>,
      %dma_start3A_260 = arith.constant 0 : i32
      %dma_start3A_261 = arith.constant 0 : i32
      %dma_start3A_262 = tpu.memref_slice %arg2[%dma_start3A_260, %dma_start3A_261] : memref<10000x128xf32, #tpu.memory_space<hbm>> -> memref<10000x128xf32, #tpu.memory_space<hbm>>
      tpu.enqueue_indirect_dma source(%dma_start3A_262 : memref<10000x128xf32, #tpu.memory_space<hbm>>) target(%arg12 : memref<80x128xf32, #tpu.memory_space<vmem>>) offsets(%arg8 : memref<80xi32, #tpu.memory_space<vmem>>) semaphore(%arg16 : memref<!tpu.dma_semaphore, #tpu.memory_space<semaphore_mem>>)
      %dma_wait3A_263 = arith.constant 0 : i32
      %dma_wait3A_264 = arith.constant 0 : i32
      %dma_wait3A_265 = tpu.memref_slice %arg2[%dma_wait3A_263, %dma_wait3A_264] : memref<10000x128xf32, #tpu.memory_space<hbm>> -> memref<10000x128xf32, #tpu.memory_space<hbm>>
      tpu.wait_indirect_dma semaphore(%arg15 : memref<!tpu.dma_semaphore, #tpu.memory_space<semaphore_mem>>) src(%dma_wait3A_265 : memref<10000x128xf32, #tpu.memory_space<hbm>>) dst(%arg11 : memref<80x128xf32, #tpu.memory_space<vmem>>)
      %dma_wait3A_266 = arith.constant 0 : i32
      %dma_wait3A_267 = arith.constant 0 : i32
      %dma_wait3A_268 = tpu.memref_slice %arg3[%mul3A_25, %dma_wait3A_266, %dma_wait3A_267] : memref<4000x80x128xf32, #tpu.memory_space<hbm>> -> memref<1x80x128xf32, #tpu.memory_space<hbm>>
      %dma_wait3A_269 = tpu.memref_squeeze %dma_wait3A_268 : memref<1x80x128xf32, #tpu.memory_space<hbm>> -> memref<80x128xf32, #tpu.memory_space<hbm>>
      %dma_wait3A_270 = arith.constant 0 : i32
      %dma_wait3A_271 = arith.constant 0 : i32
      %dma_wait3A_272 = tpu.memref_slice %arg3[%mul3A_25, %dma_wait3A_270, %dma_wait3A_271] : memref<4000x80x128xf32, #tpu.memory_space<hbm>> -> memref<1x80x128xf32, #tpu.memory_space<hbm>>
      %dma_wait3A_273 = tpu.memref_squeeze %dma_wait3A_272 : memref<1x80x128xf32, #tpu.memory_space<hbm>> -> memref<80x128xf32, #tpu.memory_space<hbm>>
      tpu.wait_dma2 semaphore(%arg17 : memref<!tpu.dma_semaphore, #tpu.memory_space<semaphore_mem>>) src(%dma_wait3A_273 : memref<80x128xf32, #tpu.memory_space<hbm>>) dst(%arg13 : memref<80x128xf32, #tpu.memory_space<vmem>>)
      %scan3A_274 = arith.constant 0 : i32
      %scan3A_275 = arith.constant 0 : i32
      %scan3A_276 = arith.constant 80 : i32
      %scan3A_277 = arith.addi %scan3A_275, %scan3A_276 : i32
      %scan3A_278 = arith.constant 1 : i32
      scf.for %scan3A_427 = %scan3A_275 to %scan3A_277 step %scan3A_278  : i32 {
        %get3A_428 = arith.index_cast %scan3A_427 : i32 to index
        %get3A_429 = arith.constant 0 : index
        %get3A_430 = tpu.vector_load %arg11[%get3A_428, %get3A_429] {strides = array<i32>} : memref<80x128xf32, #tpu.memory_space<vmem>>, vector<1x16xf32>,
        %get3A_431 = vector.shape_cast %get3A_430 : vector<1x16xf32> to vector<16xf32>
        %get3A_432 = arith.index_cast %scan3A_427 : i32 to index
        %get3A_433 = arith.constant 0 : index
        %get3A_434 = tpu.vector_load %arg13[%get3A_432, %get3A_433] {strides = array<i32>} : memref<80x128xf32, #tpu.memory_space<vmem>>, vector<1x16xf32>,
        %get3A_435 = vector.shape_cast %get3A_434 : vector<1x16xf32> to vector<16xf32>
        %add3A_436 = arith.addf %get3A_431, %get3A_435 : vector<16xf32>
        %max3A = arith.constant 0.000000e+00 : f32
        %max3A_437 = vector.broadcast %max3A : f32 to vector<16xf32>
        %max3A_438 = arith.maximumf %add3A_436, %max3A_437 : vector<16xf32>
        %swap3A_439 = arith.index_cast %scan3A_427 : i32 to index
        %swap3A_440 = arith.constant 0 : index
        %swap3A_441 = tpu.vector_load %arg11[%swap3A_439, %swap3A_440] {strides = array<i32>} : memref<80x128xf32, #tpu.memory_space<vmem>>, vector<1x16xf32>,
        %swap3A_442 = vector.shape_cast %swap3A_441 : vector<1x16xf32> to vector<16xf32>
        %swap3A_443 = vector.shape_cast %max3A_438 : vector<16xf32> to vector<1x16xf32>
        tpu.vector_store %arg11[%swap3A_439, %swap3A_440], %swap3A_443 {strides = array<i32>} : memref<80x128xf32, #tpu.memory_space<vmem>>, vector<1x16xf32>,
        %get3A_444 = arith.index_cast %scan3A_427 : i32 to index
        %get3A_445 = arith.constant 16 : index
        %get3A_446 = tpu.vector_load %arg11[%get3A_444, %get3A_445] {strides = array<i32>} : memref<80x128xf32, #tpu.memory_space<vmem>>, vector<1x16xf32>,
        %get3A_447 = vector.shape_cast %get3A_446 : vector<1x16xf32> to vector<16xf32>
        %get3A_448 = arith.index_cast %scan3A_427 : i32 to index
        %get3A_449 = arith.constant 16 : index
        %get3A_450 = tpu.vector_load %arg13[%get3A_448, %get3A_449] {strides = array<i32>} : memref<80x128xf32, #tpu.memory_space<vmem>>, vector<1x16xf32>,
        %get3A_451 = vector.shape_cast %get3A_450 : vector<1x16xf32> to vector<16xf32>
        %add3A_452 = arith.addf %get3A_447, %get3A_451 : vector<16xf32>
        %max3A_453 = arith.constant 0.000000e+00 : f32
        %max3A_454 = vector.broadcast %max3A_453 : f32 to vector<16xf32>
        %max3A_455 = arith.maximumf %add3A_452, %max3A_454 : vector<16xf32>
        %swap3A_456 = arith.index_cast %scan3A_427 : i32 to index
        %swap3A_457 = arith.constant 16 : index
        %swap3A_458 = tpu.vector_load %arg11[%swap3A_456, %swap3A_457] {strides = array<i32>} : memref<80x128xf32, #tpu.memory_space<vmem>>, vector<1x16xf32>,
        %swap3A_459 = vector.shape_cast %swap3A_458 : vector<1x16xf32> to vector<16xf32>
        %swap3A_460 = vector.shape_cast %max3A_455 : vector<16xf32> to vector<1x16xf32>
        tpu.vector_store %arg11[%swap3A_456, %swap3A_457], %swap3A_460 {strides = array<i32>} : memref<80x128xf32, #tpu.memory_space<vmem>>, vector<1x16xf32>,
        %get3A_461 = arith.index_cast %scan3A_427 : i32 to index
        %get3A_462 = arith.constant 32 : index
        %get3A_463 = tpu.vector_load %arg11[%get3A_461, %get3A_462] {strides = array<i32>} : memref<80x128xf32, #tpu.memory_space<vmem>>, vector<1x16xf32>,
        %get3A_464 = vector.shape_cast %get3A_463 : vector<1x16xf32> to vector<16xf32>
        %get3A_465 = arith.index_cast %scan3A_427 : i32 to index
        %get3A_466 = arith.constant 32 : index
        %get3A_467 = tpu.vector_load %arg13[%get3A_465, %get3A_466] {strides = array<i32>} : memref<80x128xf32, #tpu.memory_space<vmem>>, vector<1x16xf32>,
        %get3A_468 = vector.shape_cast %get3A_467 : vector<1x16xf32> to vector<16xf32>
        %add3A_469 = arith.addf %get3A_464, %get3A_468 : vector<16xf32>
        %max3A_470 = arith.constant 0.000000e+00 : f32
        %max3A_471 = vector.broadcast %max3A_470 : f32 to vector<16xf32>
        %max3A_472 = arith.maximumf %add3A_469, %max3A_471 : vector<16xf32>
        %swap3A_473 = arith.index_cast %scan3A_427 : i32 to index
        %swap3A_474 = arith.constant 32 : index
        %swap3A_475 = tpu.vector_load %arg11[%swap3A_473, %swap3A_474] {strides = array<i32>} : memref<80x128xf32, #tpu.memory_space<vmem>>, vector<1x16xf32>,
        %swap3A_476 = vector.shape_cast %swap3A_475 : vector<1x16xf32> to vector<16xf32>
        %swap3A_477 = vector.shape_cast %max3A_472 : vector<16xf32> to vector<1x16xf32>
        tpu.vector_store %arg11[%swap3A_473, %swap3A_474], %swap3A_477 {strides = array<i32>} : memref<80x128xf32, #tpu.memory_space<vmem>>, vector<1x16xf32>,
        %get3A_478 = arith.index_cast %scan3A_427 : i32 to index
        %get3A_479 = arith.constant 48 : index
        %get3A_480 = tpu.vector_load %arg11[%get3A_478, %get3A_479] {strides = array<i32>} : memref<80x128xf32, #tpu.memory_space<vmem>>, vector<1x16xf32>,
        %get3A_481 = vector.shape_cast %get3A_480 : vector<1x16xf32> to vector<16xf32>
        %get3A_482 = arith.index_cast %scan3A_427 : i32 to index
        %get3A_483 = arith.constant 48 : index
        %get3A_484 = tpu.vector_load %arg13[%get3A_482, %get3A_483] {strides = array<i32>} : memref<80x128xf32, #tpu.memory_space<vmem>>, vector<1x16xf32>,
        %get3A_485 = vector.shape_cast %get3A_484 : vector<1x16xf32> to vector<16xf32>
        %add3A_486 = arith.addf %get3A_481, %get3A_485 : vector<16xf32>
        %max3A_487 = arith.constant 0.000000e+00 : f32
        %max3A_488 = vector.broadcast %max3A_487 : f32 to vector<16xf32>
        %max3A_489 = arith.maximumf %add3A_486, %max3A_488 : vector<16xf32>
        %swap3A_490 = arith.index_cast %scan3A_427 : i32 to index
        %swap3A_491 = arith.constant 48 : index
        %swap3A_492 = tpu.vector_load %arg11[%swap3A_490, %swap3A_491] {strides = array<i32>} : memref<80x128xf32, #tpu.memory_space<vmem>>, vector<1x16xf32>,
        %swap3A_493 = vector.shape_cast %swap3A_492 : vector<1x16xf32> to vector<16xf32>
        %swap3A_494 = vector.shape_cast %max3A_489 : vector<16xf32> to vector<1x16xf32>
        tpu.vector_store %arg11[%swap3A_490, %swap3A_491], %swap3A_494 {strides = array<i32>} : memref<80x128xf32, #tpu.memory_space<vmem>>, vector<1x16xf32>,
        %get3A_495 = arith.index_cast %scan3A_427 : i32 to index
        %get3A_496 = arith.constant 64 : index
        %get3A_497 = tpu.vector_load %arg11[%get3A_495, %get3A_496] {strides = array<i32>} : memref<80x128xf32, #tpu.memory_space<vmem>>, vector<1x16xf32>,
        %get3A_498 = vector.shape_cast %get3A_497 : vector<1x16xf32> to vector<16xf32>
        %get3A_499 = arith.index_cast %scan3A_427 : i32 to index
        %get3A_500 = arith.constant 64 : index
        %get3A_501 = tpu.vector_load %arg13[%get3A_499, %get3A_500] {strides = array<i32>} : memref<80x128xf32, #tpu.memory_space<vmem>>, vector<1x16xf32>,
        %get3A_502 = vector.shape_cast %get3A_501 : vector<1x16xf32> to vector<16xf32>
        %add3A_503 = arith.addf %get3A_498, %get3A_502 : vector<16xf32>
        %max3A_504 = arith.constant 0.000000e+00 : f32
        %max3A_505 = vector.broadcast %max3A_504 : f32 to vector<16xf32>
        %max3A_506 = arith.maximumf %add3A_503, %max3A_505 : vector<16xf32>
        %swap3A_507 = arith.index_cast %scan3A_427 : i32 to index
        %swap3A_508 = arith.constant 64 : index
        %swap3A_509 = tpu.vector_load %arg11[%swap3A_507, %swap3A_508] {strides = array<i32>} : memref<80x128xf32, #tpu.memory_space<vmem>>, vector<1x16xf32>,
        %swap3A_510 = vector.shape_cast %swap3A_509 : vector<1x16xf32> to vector<16xf32>
        %swap3A_511 = vector.shape_cast %max3A_506 : vector<16xf32> to vector<1x16xf32>
        tpu.vector_store %arg11[%swap3A_507, %swap3A_508], %swap3A_511 {strides = array<i32>} : memref<80x128xf32, #tpu.memory_space<vmem>>, vector<1x16xf32>,
        %get3A_512 = arith.index_cast %scan3A_427 : i32 to index
        %get3A_513 = arith.constant 80 : index
        %get3A_514 = tpu.vector_load %arg11[%get3A_512, %get3A_513] {strides = array<i32>} : memref<80x128xf32, #tpu.memory_space<vmem>>, vector<1x16xf32>,
        %get3A_515 = vector.shape_cast %get3A_514 : vector<1x16xf32> to vector<16xf32>
        %get3A_516 = arith.index_cast %scan3A_427 : i32 to index
        %get3A_517 = arith.constant 80 : index
        %get3A_518 = tpu.vector_load %arg13[%get3A_516, %get3A_517] {strides = array<i32>} : memref<80x128xf32, #tpu.memory_space<vmem>>, vector<1x16xf32>,
        %get3A_519 = vector.shape_cast %get3A_518 : vector<1x16xf32> to vector<16xf32>
        %add3A_520 = arith.addf %get3A_515, %get3A_519 : vector<16xf32>
        %max3A_521 = arith.constant 0.000000e+00 : f32
        %max3A_522 = vector.broadcast %max3A_521 : f32 to vector<16xf32>
        %max3A_523 = arith.maximumf %add3A_520, %max3A_522 : vector<16xf32>
        %swap3A_524 = arith.index_cast %scan3A_427 : i32 to index
        %swap3A_525 = arith.constant 80 : index
        %swap3A_526 = tpu.vector_load %arg11[%swap3A_524, %swap3A_525] {strides = array<i32>} : memref<80x128xf32, #tpu.memory_space<vmem>>, vector<1x16xf32>,
        %swap3A_527 = vector.shape_cast %swap3A_526 : vector<1x16xf32> to vector<16xf32>
        %swap3A_528 = vector.shape_cast %max3A_523 : vector<16xf32> to vector<1x16xf32>
        tpu.vector_store %arg11[%swap3A_524, %swap3A_525], %swap3A_528 {strides = array<i32>} : memref<80x128xf32, #tpu.memory_space<vmem>>, vector<1x16xf32>,
        %get3A_529 = arith.index_cast %scan3A_427 : i32 to index
        %get3A_530 = arith.constant 96 : index
        %get3A_531 = tpu.vector_load %arg11[%get3A_529, %get3A_530] {strides = array<i32>} : memref<80x128xf32, #tpu.memory_space<vmem>>, vector<1x16xf32>,
        %get3A_532 = vector.shape_cast %get3A_531 : vector<1x16xf32> to vector<16xf32>
        %get3A_533 = arith.index_cast %scan3A_427 : i32 to index
        %get3A_534 = arith.constant 96 : index
        %get3A_535 = tpu.vector_load %arg13[%get3A_533, %get3A_534] {strides = array<i32>} : memref<80x128xf32, #tpu.memory_space<vmem>>, vector<1x16xf32>,
        %get3A_536 = vector.shape_cast %get3A_535 : vector<1x16xf32> to vector<16xf32>
        %add3A_537 = arith.addf %get3A_532, %get3A_536 : vector<16xf32>
        %max3A_538 = arith.constant 0.000000e+00 : f32
        %max3A_539 = vector.broadcast %max3A_538 : f32 to vector<16xf32>
        %max3A_540 = arith.maximumf %add3A_537, %max3A_539 : vector<16xf32>
        %swap3A_541 = arith.index_cast %scan3A_427 : i32 to index
        %swap3A_542 = arith.constant 96 : index
        %swap3A_543 = tpu.vector_load %arg11[%swap3A_541, %swap3A_542] {strides = array<i32>} : memref<80x128xf32, #tpu.memory_space<vmem>>, vector<1x16xf32>,
        %swap3A_544 = vector.shape_cast %swap3A_543 : vector<1x16xf32> to vector<16xf32>
        %swap3A_545 = vector.shape_cast %max3A_540 : vector<16xf32> to vector<1x16xf32>
        tpu.vector_store %arg11[%swap3A_541, %swap3A_542], %swap3A_545 {strides = array<i32>} : memref<80x128xf32, #tpu.memory_space<vmem>>, vector<1x16xf32>,
        %get3A_546 = arith.index_cast %scan3A_427 : i32 to index
        %get3A_547 = arith.constant 112 : index
        %get3A_548 = tpu.vector_load %arg11[%get3A_546, %get3A_547] {strides = array<i32>} : memref<80x128xf32, #tpu.memory_space<vmem>>, vector<1x16xf32>,
        %get3A_549 = vector.shape_cast %get3A_548 : vector<1x16xf32> to vector<16xf32>
        %get3A_550 = arith.index_cast %scan3A_427 : i32 to index
        %get3A_551 = arith.constant 112 : index
        %get3A_552 = tpu.vector_load %arg13[%get3A_550, %get3A_551] {strides = array<i32>} : memref<80x128xf32, #tpu.memory_space<vmem>>, vector<1x16xf32>,
        %get3A_553 = vector.shape_cast %get3A_552 : vector<1x16xf32> to vector<16xf32>
        %add3A_554 = arith.addf %get3A_549, %get3A_553 : vector<16xf32>
        %max3A_555 = arith.constant 0.000000e+00 : f32
        %max3A_556 = vector.broadcast %max3A_555 : f32 to vector<16xf32>
        %max3A_557 = arith.maximumf %add3A_554, %max3A_556 : vector<16xf32>
        %swap3A_558 = arith.index_cast %scan3A_427 : i32 to index
        %swap3A_559 = arith.constant 112 : index
        %swap3A_560 = tpu.vector_load %arg11[%swap3A_558, %swap3A_559] {strides = array<i32>} : memref<80x128xf32, #tpu.memory_space<vmem>>, vector<1x16xf32>,
        %swap3A_561 = vector.shape_cast %swap3A_560 : vector<1x16xf32> to vector<16xf32>
        %swap3A_562 = vector.shape_cast %max3A_557 : vector<16xf32> to vector<1x16xf32>
        tpu.vector_store %arg11[%swap3A_558, %swap3A_559], %swap3A_562 {strides = array<i32>} : memref<80x128xf32, #tpu.memory_space<vmem>>, vector<1x16xf32>,
      }
      %scan3A_279 = arith.constant 80 : i32
      %add3A_280 = arith.constant 1 : i32
      %add3A_281 = arith.addi %add3A_165, %add3A_280 : i32
      %add3A_282 = arith.addi %mul3A_25, %add3A_281 : i32
      %dma_start3A_283 = arith.constant 0 : i32
      %dma_start3A_284 = arith.constant 0 : i32
      %dma_start3A_285 = tpu.memref_slice %arg3[%add3A_282, %dma_start3A_283, %dma_start3A_284] : memref<4000x80x128xf32, #tpu.memory_space<hbm>> -> memref<1x80x128xf32, #tpu.memory_space<hbm>>
      %dma_start3A_286 = tpu.memref_squeeze %dma_start3A_285 : memref<1x80x128xf32, #tpu.memory_space<hbm>> -> memref<80x128xf32, #tpu.memory_space<hbm>>
      %dma_start3A_287 = arith.constant 0 : i32
      %dma_start3A_288 = arith.constant 0 : i32
      %dma_start3A_289 = tpu.memref_slice %arg3[%add3A_282, %dma_start3A_287, %dma_start3A_288] : memref<4000x80x128xf32, #tpu.memory_space<hbm>> -> memref<1x80x128xf32, #tpu.memory_space<hbm>>
      %dma_start3A_290 = tpu.memref_squeeze %dma_start3A_289 : memref<1x80x128xf32, #tpu.memory_space<hbm>> -> memref<80x128xf32, #tpu.memory_space<hbm>>
      tpu.enqueue_dma source(%dma_start3A_290 : memref<80x128xf32, #tpu.memory_space<hbm>>) target(%arg13 : memref<80x128xf32, #tpu.memory_space<vmem>>) target_semaphore(%arg17 : memref<!tpu.dma_semaphore, #tpu.memory_space<semaphore_mem>>)
      %dma_start3A_291 = arith.constant 0 : i32
      %dma_start3A_292 = arith.constant 0 : i32
      %dma_start3A_293 = tpu.memref_slice %arg14[%dma_start3A_291, %dma_start3A_292] : memref<10112x128xf32, #tpu.memory_space<vmem_shared>> -> memref<10112x128xf32, #tpu.memory_space<vmem_shared>>
      tpu.enqueue_indirect_dma source(%arg11 : memref<80x128xf32, #tpu.memory_space<vmem>>) target(%dma_start3A_293 : memref<10112x128xf32, #tpu.memory_space<vmem_shared>>) offsets(%arg9 : memref<80xi32, #tpu.memory_space<vmem>>) semaphore(%arg18 : memref<!tpu.dma_semaphore, #tpu.memory_space<semaphore_mem>>) {add = true}
      %mul3A_294 = arith.constant 2 : i32
      %mul3A_295 = arith.muli %mul3A_294, %scan3A_161 : i32
      %add3A_296 = arith.constant 1 : i32
      %add3A_297 = arith.addi %mul3A_295, %add3A_296 : i32
      %dma_wait3A_298 = arith.constant 0 : i32
      %dma_wait3A_299 = arith.constant 0 : i32
      %dma_wait3A_300 = tpu.memref_slice %arg14[%dma_wait3A_298, %dma_wait3A_299] : memref<10112x128xf32, #tpu.memory_space<vmem_shared>> -> memref<10112x128xf32, #tpu.memory_space<vmem_shared>>
      tpu.wait_indirect_dma semaphore(%arg18 : memref<!tpu.dma_semaphore, #tpu.memory_space<semaphore_mem>>) src(%arg11 : memref<80x128xf32, #tpu.memory_space<vmem>>) dst(%dma_wait3A_300 : memref<10112x128xf32, #tpu.memory_space<vmem_shared>>)
      %add3A_301 = arith.constant 1 : i32
      %add3A_302 = arith.addi %add3A_297, %add3A_301 : i32
      %get3A_303 = arith.index_cast %add3A_302 : i32 to index
      %get3A_304 = arith.constant 0 : index
      %get3A_305 = tpu.vector_load %arg6[%get3A_303, %get3A_304] {strides = array<i32>} : memref<125x80xi32, #tpu.memory_space<vmem>>, vector<1x16xi32>,
      %get3A_306 = vector.shape_cast %get3A_305 : vector<1x16xi32> to vector<16xi32>
      %and3A_307 = arith.constant 65535 : i32
      %and3A_308 = vector.broadcast %and3A_307 : i32 to vector<16xi32>
      %and3A_309 = arith.andi %get3A_306, %and3A_308 : vector<16xi32>
      %swap3A_310 = arith.constant 0 : index
      %swap3A_311 = tpu.vector_load %arg7[%swap3A_310] {strides = array<i32>} : memref<80xi32, #tpu.memory_space<vmem>>, vector<16xi32>,
      %swap3A_312 = vector.shape_cast %swap3A_311 : vector<16xi32> to vector<16xi32>
      %swap3A_313 = vector.shape_cast %and3A_309 : vector<16xi32> to vector<16xi32>
      tpu.vector_store %arg7[%swap3A_310], %swap3A_313 {strides = array<i32>} : memref<80xi32, #tpu.memory_space<vmem>>, vector<16xi32>,
      %shift_right_logical3A_314 = arith.constant 16 : i32
      %shift_right_logical3A_315 = vector.broadcast %shift_right_logical3A_314 : i32 to vector<16xi32>
      %shift_right_logical3A_316 = arith.shrui %get3A_306, %shift_right_logical3A_315 : vector<16xi32>
      %swap3A_317 = arith.constant 0 : index
      %swap3A_318 = tpu.vector_load %arg9[%swap3A_317] {strides = array<i32>} : memref<80xi32, #tpu.memory_space<vmem>>, vector<16xi32>,
      %swap3A_319 = vector.shape_cast %swap3A_318 : vector<16xi32> to vector<16xi32>
      %swap3A_320 = vector.shape_cast %shift_right_logical3A_316 : vector<16xi32> to vector<16xi32>
      tpu.vector_store %arg9[%swap3A_317], %swap3A_320 {strides = array<i32>} : memref<80xi32, #tpu.memory_space<vmem>>, vector<16xi32>,
      %get3A_321 = arith.index_cast %add3A_302 : i32 to index
      %get3A_322 = arith.constant 16 : index
      %get3A_323 = tpu.vector_load %arg6[%get3A_321, %get3A_322] {strides = array<i32>} : memref<125x80xi32, #tpu.memory_space<vmem>>, vector<1x16xi32>,
      %get3A_324 = vector.shape_cast %get3A_323 : vector<1x16xi32> to vector<16xi32>
      %and3A_325 = arith.constant 65535 : i32
      %and3A_326 = vector.broadcast %and3A_325 : i32 to vector<16xi32>
      %and3A_327 = arith.andi %get3A_324, %and3A_326 : vector<16xi32>
      %swap3A_328 = arith.constant 16 : index
      %swap3A_329 = tpu.vector_load %arg7[%swap3A_328] {strides = array<i32>} : memref<80xi32, #tpu.memory_space<vmem>>, vector<16xi32>,
      %swap3A_330 = vector.shape_cast %swap3A_329 : vector<16xi32> to vector<16xi32>
      %swap3A_331 = vector.shape_cast %and3A_327 : vector<16xi32> to vector<16xi32>
      tpu.vector_store %arg7[%swap3A_328], %swap3A_331 {strides = array<i32>} : memref<80xi32, #tpu.memory_space<vmem>>, vector<16xi32>,
      %shift_right_logical3A_332 = arith.constant 16 : i32
      %shift_right_logical3A_333 = vector.broadcast %shift_right_logical3A_332 : i32 to vector<16xi32>
      %shift_right_logical3A_334 = arith.shrui %get3A_324, %shift_right_logical3A_333 : vector<16xi32>
      %swap3A_335 = arith.constant 16 : index
      %swap3A_336 = tpu.vector_load %arg9[%swap3A_335] {strides = array<i32>} : memref<80xi32, #tpu.memory_space<vmem>>, vector<16xi32>,
      %swap3A_337 = vector.shape_cast %swap3A_336 : vector<16xi32> to vector<16xi32>
      %swap3A_338 = vector.shape_cast %shift_right_logical3A_334 : vector<16xi32> to vector<16xi32>
      tpu.vector_store %arg9[%swap3A_335], %swap3A_338 {strides = array<i32>} : memref<80xi32, #tpu.memory_space<vmem>>, vector<16xi32>,
      %get3A_339 = arith.index_cast %add3A_302 : i32 to index
      %get3A_340 = arith.constant 32 : index
      %get3A_341 = tpu.vector_load %arg6[%get3A_339, %get3A_340] {strides = array<i32>} : memref<125x80xi32, #tpu.memory_space<vmem>>, vector<1x16xi32>,
      %get3A_342 = vector.shape_cast %get3A_341 : vector<1x16xi32> to vector<16xi32>
      %and3A_343 = arith.constant 65535 : i32
      %and3A_344 = vector.broadcast %and3A_343 : i32 to vector<16xi32>
      %and3A_345 = arith.andi %get3A_342, %and3A_344 : vector<16xi32>
      %swap3A_346 = arith.constant 32 : index
      %swap3A_347 = tpu.vector_load %arg7[%swap3A_346] {strides = array<i32>} : memref<80xi32, #tpu.memory_space<vmem>>, vector<16xi32>,
      %swap3A_348 = vector.shape_cast %swap3A_347 : vector<16xi32> to vector<16xi32>
      %swap3A_349 = vector.shape_cast %and3A_345 : vector<16xi32> to vector<16xi32>
      tpu.vector_store %arg7[%swap3A_346], %swap3A_349 {strides = array<i32>} : memref<80xi32, #tpu.memory_space<vmem>>, vector<16xi32>,
      %shift_right_logical3A_350 = arith.constant 16 : i32
      %shift_right_logical3A_351 = vector.broadcast %shift_right_logical3A_350 : i32 to vector<16xi32>
      %shift_right_logical3A_352 = arith.shrui %get3A_342, %shift_right_logical3A_351 : vector<16xi32>
      %swap3A_353 = arith.constant 32 : index
      %swap3A_354 = tpu.vector_load %arg9[%swap3A_353] {strides = array<i32>} : memref<80xi32, #tpu.memory_space<vmem>>, vector<16xi32>,
      %swap3A_355 = vector.shape_cast %swap3A_354 : vector<16xi32> to vector<16xi32>
      %swap3A_356 = vector.shape_cast %shift_right_logical3A_352 : vector<16xi32> to vector<16xi32>
      tpu.vector_store %arg9[%swap3A_353], %swap3A_356 {strides = array<i32>} : memref<80xi32, #tpu.memory_space<vmem>>, vector<16xi32>,
      %get3A_357 = arith.index_cast %add3A_302 : i32 to index
      %get3A_358 = arith.constant 48 : index
      %get3A_359 = tpu.vector_load %arg6[%get3A_357, %get3A_358] {strides = array<i32>} : memref<125x80xi32, #tpu.memory_space<vmem>>, vector<1x16xi32>,
      %get3A_360 = vector.shape_cast %get3A_359 : vector<1x16xi32> to vector<16xi32>
      %and3A_361 = arith.constant 65535 : i32
      %and3A_362 = vector.broadcast %and3A_361 : i32 to vector<16xi32>
      %and3A_363 = arith.andi %get3A_360, %and3A_362 : vector<16xi32>
      %swap3A_364 = arith.constant 48 : index
      %swap3A_365 = tpu.vector_load %arg7[%swap3A_364] {strides = array<i32>} : memref<80xi32, #tpu.memory_space<vmem>>, vector<16xi32>,
      %swap3A_366 = vector.shape_cast %swap3A_365 : vector<16xi32> to vector<16xi32>
      %swap3A_367 = vector.shape_cast %and3A_363 : vector<16xi32> to vector<16xi32>
      tpu.vector_store %arg7[%swap3A_364], %swap3A_367 {strides = array<i32>} : memref<80xi32, #tpu.memory_space<vmem>>, vector<16xi32>,
      %shift_right_logical3A_368 = arith.constant 16 : i32
      %shift_right_logical3A_369 = vector.broadcast %shift_right_logical3A_368 : i32 to vector<16xi32>
      %shift_right_logical3A_370 = arith.shrui %get3A_360, %shift_right_logical3A_369 : vector<16xi32>
      %swap3A_371 = arith.constant 48 : index
      %swap3A_372 = tpu.vector_load %arg9[%swap3A_371] {strides = array<i32>} : memref<80xi32, #tpu.memory_space<vmem>>, vector<16xi32>,
      %swap3A_373 = vector.shape_cast %swap3A_372 : vector<16xi32> to vector<16xi32>
      %swap3A_374 = vector.shape_cast %shift_right_logical3A_370 : vector<16xi32> to vector<16xi32>
      tpu.vector_store %arg9[%swap3A_371], %swap3A_374 {strides = array<i32>} : memref<80xi32, #tpu.memory_space<vmem>>, vector<16xi32>,
      %get3A_375 = arith.index_cast %add3A_302 : i32 to index
      %get3A_376 = arith.constant 64 : index
      %get3A_377 = tpu.vector_load %arg6[%get3A_375, %get3A_376] {strides = array<i32>} : memref<125x80xi32, #tpu.memory_space<vmem>>, vector<1x16xi32>,
      %get3A_378 = vector.shape_cast %get3A_377 : vector<1x16xi32> to vector<16xi32>
      %and3A_379 = arith.constant 65535 : i32
      %and3A_380 = vector.broadcast %and3A_379 : i32 to vector<16xi32>
      %and3A_381 = arith.andi %get3A_378, %and3A_380 : vector<16xi32>
      %swap3A_382 = arith.constant 64 : index
      %swap3A_383 = tpu.vector_load %arg7[%swap3A_382] {strides = array<i32>} : memref<80xi32, #tpu.memory_space<vmem>>, vector<16xi32>,
      %swap3A_384 = vector.shape_cast %swap3A_383 : vector<16xi32> to vector<16xi32>
      %swap3A_385 = vector.shape_cast %and3A_381 : vector<16xi32> to vector<16xi32>
      tpu.vector_store %arg7[%swap3A_382], %swap3A_385 {strides = array<i32>} : memref<80xi32, #tpu.memory_space<vmem>>, vector<16xi32>,
      %shift_right_logical3A_386 = arith.constant 16 : i32
      %shift_right_logical3A_387 = vector.broadcast %shift_right_logical3A_386 : i32 to vector<16xi32>
      %shift_right_logical3A_388 = arith.shrui %get3A_378, %shift_right_logical3A_387 : vector<16xi32>
      %swap3A_389 = arith.constant 64 : index
      %swap3A_390 = tpu.vector_load %arg9[%swap3A_389] {strides = array<i32>} : memref<80xi32, #tpu.memory_space<vmem>>, vector<16xi32>,
      %swap3A_391 = vector.shape_cast %swap3A_390 : vector<16xi32> to vector<16xi32>
      %swap3A_392 = vector.shape_cast %shift_right_logical3A_388 : vector<16xi32> to vector<16xi32>
      tpu.vector_store %arg9[%swap3A_389], %swap3A_392 {strides = array<i32>} : memref<80xi32, #tpu.memory_space<vmem>>, vector<16xi32>,
      %dma_start3A_393 = arith.constant 0 : i32
      %dma_start3A_394 = arith.constant 0 : i32
      %dma_start3A_395 = tpu.memref_slice %arg2[%dma_start3A_393, %dma_start3A_394] : memref<10000x128xf32, #tpu.memory_space<hbm>> -> memref<10000x128xf32, #tpu.memory_space<hbm>>
      tpu.enqueue_indirect_dma source(%dma_start3A_395 : memref<10000x128xf32, #tpu.memory_space<hbm>>) target(%arg11 : memref<80x128xf32, #tpu.memory_space<vmem>>) offsets(%arg7 : memref<80xi32, #tpu.memory_space<vmem>>) semaphore(%arg15 : memref<!tpu.dma_semaphore, #tpu.memory_space<semaphore_mem>>)
      %dma_wait3A_396 = arith.constant 0 : i32
      %dma_wait3A_397 = arith.constant 0 : i32
      %dma_wait3A_398 = tpu.memref_slice %arg2[%dma_wait3A_396, %dma_wait3A_397] : memref<10000x128xf32, #tpu.memory_space<hbm>> -> memref<10000x128xf32, #tpu.memory_space<hbm>>
      tpu.wait_indirect_dma semaphore(%arg16 : memref<!tpu.dma_semaphore, #tpu.memory_space<semaphore_mem>>) src(%dma_wait3A_398 : memref<10000x128xf32, #tpu.memory_space<hbm>>) dst(%arg12 : memref<80x128xf32, #tpu.memory_space<vmem>>)
      %dma_wait3A_399 = arith.constant 0 : i32
      %dma_wait3A_400 = arith.constant 0 : i32
      %dma_wait3A_401 = tpu.memref_slice %arg3[%mul3A_25, %dma_wait3A_399, %dma_wait3A_400] : memref<4000x80x128xf32, #tpu.memory_space<hbm>> -> memref<1x80x128xf32, #tpu.memory_space<hbm>>
      %dma_wait3A_402 = tpu.memref_squeeze %dma_wait3A_401 : memref<1x80x128xf32, #tpu.memory_space<hbm>> -> memref<80x128xf32, #tpu.memory_space<hbm>>
      %dma_wait3A_403 = arith.constant 0 : i32
      %dma_wait3A_404 = arith.constant 0 : i32
      %dma_wait3A_405 = tpu.memref_slice %arg3[%mul3A_25, %dma_wait3A_403, %dma_wait3A_404] : memref<4000x80x128xf32, #tpu.memory_space<hbm>> -> memref<1x80x128xf32, #tpu.memory_space<hbm>>
      %dma_wait3A_406 = tpu.memref_squeeze %dma_wait3A_405 : memref<1x80x128xf32, #tpu.memory_space<hbm>> -> memref<80x128xf32, #tpu.memory_space<hbm>>
      tpu.wait_dma2 semaphore(%arg17 : memref<!tpu.dma_semaphore, #tpu.memory_space<semaphore_mem>>) src(%dma_wait3A_406 : memref<80x128xf32, #tpu.memory_space<hbm>>) dst(%arg13 : memref<80x128xf32, #tpu.memory_space<vmem>>)
      %scan3A_407 = arith.constant 0 : i32
      %scan3A_408 = arith.constant 0 : i32
      %scan3A_409 = arith.constant 80 : i32
      %scan3A_410 = arith.addi %scan3A_408, %scan3A_409 : i32
      %scan3A_411 = arith.constant 1 : i32
      scf.for %scan3A_427 = %scan3A_408 to %scan3A_410 step %scan3A_411  : i32 {
        %get3A_428 = arith.index_cast %scan3A_427 : i32 to index
        %get3A_429 = arith.constant 0 : index
        %get3A_430 = tpu.vector_load %arg12[%get3A_428, %get3A_429] {strides = array<i32>} : memref<80x128xf32, #tpu.memory_space<vmem>>, vector<1x16xf32>,
        %get3A_431 = vector.shape_cast %get3A_430 : vector<1x16xf32> to vector<16xf32>
        %get3A_432 = arith.index_cast %scan3A_427 : i32 to index
        %get3A_433 = arith.constant 0 : index
        %get3A_434 = tpu.vector_load %arg13[%get3A_432, %get3A_433] {strides = array<i32>} : memref<80x128xf32, #tpu.memory_space<vmem>>, vector<1x16xf32>,
        %get3A_435 = vector.shape_cast %get3A_434 : vector<1x16xf32> to vector<16xf32>
        %add3A_436 = arith.addf %get3A_431, %get3A_435 : vector<16xf32>
        %max3A = arith.constant 0.000000e+00 : f32
        %max3A_437 = vector.broadcast %max3A : f32 to vector<16xf32>
        %max3A_438 = arith.maximumf %add3A_436, %max3A_437 : vector<16xf32>
        %swap3A_439 = arith.index_cast %scan3A_427 : i32 to index
        %swap3A_440 = arith.constant 0 : index
        %swap3A_441 = tpu.vector_load %arg12[%swap3A_439, %swap3A_440] {strides = array<i32>} : memref<80x128xf32, #tpu.memory_space<vmem>>, vector<1x16xf32>,
        %swap3A_442 = vector.shape_cast %swap3A_441 : vector<1x16xf32> to vector<16xf32>
        %swap3A_443 = vector.shape_cast %max3A_438 : vector<16xf32> to vector<1x16xf32>
        tpu.vector_store %arg12[%swap3A_439, %swap3A_440], %swap3A_443 {strides = array<i32>} : memref<80x128xf32, #tpu.memory_space<vmem>>, vector<1x16xf32>,
        %get3A_444 = arith.index_cast %scan3A_427 : i32 to index
        %get3A_445 = arith.constant 16 : index
        %get3A_446 = tpu.vector_load %arg12[%get3A_444, %get3A_445] {strides = array<i32>} : memref<80x128xf32, #tpu.memory_space<vmem>>, vector<1x16xf32>,
        %get3A_447 = vector.shape_cast %get3A_446 : vector<1x16xf32> to vector<16xf32>
        %get3A_448 = arith.index_cast %scan3A_427 : i32 to index
        %get3A_449 = arith.constant 16 : index
        %get3A_450 = tpu.vector_load %arg13[%get3A_448, %get3A_449] {strides = array<i32>} : memref<80x128xf32, #tpu.memory_space<vmem>>, vector<1x16xf32>,
        %get3A_451 = vector.shape_cast %get3A_450 : vector<1x16xf32> to vector<16xf32>
        %add3A_452 = arith.addf %get3A_447, %get3A_451 : vector<16xf32>
        %max3A_453 = arith.constant 0.000000e+00 : f32
        %max3A_454 = vector.broadcast %max3A_453 : f32 to vector<16xf32>
        %max3A_455 = arith.maximumf %add3A_452, %max3A_454 : vector<16xf32>
        %swap3A_456 = arith.index_cast %scan3A_427 : i32 to index
        %swap3A_457 = arith.constant 16 : index
        %swap3A_458 = tpu.vector_load %arg12[%swap3A_456, %swap3A_457] {strides = array<i32>} : memref<80x128xf32, #tpu.memory_space<vmem>>, vector<1x16xf32>,
        %swap3A_459 = vector.shape_cast %swap3A_458 : vector<1x16xf32> to vector<16xf32>
        %swap3A_460 = vector.shape_cast %max3A_455 : vector<16xf32> to vector<1x16xf32>
        tpu.vector_store %arg12[%swap3A_456, %swap3A_457], %swap3A_460 {strides = array<i32>} : memref<80x128xf32, #tpu.memory_space<vmem>>, vector<1x16xf32>,
        %get3A_461 = arith.index_cast %scan3A_427 : i32 to index
        %get3A_462 = arith.constant 32 : index
        %get3A_463 = tpu.vector_load %arg12[%get3A_461, %get3A_462] {strides = array<i32>} : memref<80x128xf32, #tpu.memory_space<vmem>>, vector<1x16xf32>,
        %get3A_464 = vector.shape_cast %get3A_463 : vector<1x16xf32> to vector<16xf32>
        %get3A_465 = arith.index_cast %scan3A_427 : i32 to index
        %get3A_466 = arith.constant 32 : index
        %get3A_467 = tpu.vector_load %arg13[%get3A_465, %get3A_466] {strides = array<i32>} : memref<80x128xf32, #tpu.memory_space<vmem>>, vector<1x16xf32>,
        %get3A_468 = vector.shape_cast %get3A_467 : vector<1x16xf32> to vector<16xf32>
        %add3A_469 = arith.addf %get3A_464, %get3A_468 : vector<16xf32>
        %max3A_470 = arith.constant 0.000000e+00 : f32
        %max3A_471 = vector.broadcast %max3A_470 : f32 to vector<16xf32>
        %max3A_472 = arith.maximumf %add3A_469, %max3A_471 : vector<16xf32>
        %swap3A_473 = arith.index_cast %scan3A_427 : i32 to index
        %swap3A_474 = arith.constant 32 : index
        %swap3A_475 = tpu.vector_load %arg12[%swap3A_473, %swap3A_474] {strides = array<i32>} : memref<80x128xf32, #tpu.memory_space<vmem>>, vector<1x16xf32>,
        %swap3A_476 = vector.shape_cast %swap3A_475 : vector<1x16xf32> to vector<16xf32>
        %swap3A_477 = vector.shape_cast %max3A_472 : vector<16xf32> to vector<1x16xf32>
        tpu.vector_store %arg12[%swap3A_473, %swap3A_474], %swap3A_477 {strides = array<i32>} : memref<80x128xf32, #tpu.memory_space<vmem>>, vector<1x16xf32>,
        %get3A_478 = arith.index_cast %scan3A_427 : i32 to index
        %get3A_479 = arith.constant 48 : index
        %get3A_480 = tpu.vector_load %arg12[%get3A_478, %get3A_479] {strides = array<i32>} : memref<80x128xf32, #tpu.memory_space<vmem>>, vector<1x16xf32>,
        %get3A_481 = vector.shape_cast %get3A_480 : vector<1x16xf32> to vector<16xf32>
        %get3A_482 = arith.index_cast %scan3A_427 : i32 to index
        %get3A_483 = arith.constant 48 : index
        %get3A_484 = tpu.vector_load %arg13[%get3A_482, %get3A_483] {strides = array<i32>} : memref<80x128xf32, #tpu.memory_space<vmem>>, vector<1x16xf32>,
        %get3A_485 = vector.shape_cast %get3A_484 : vector<1x16xf32> to vector<16xf32>
        %add3A_486 = arith.addf %get3A_481, %get3A_485 : vector<16xf32>
        %max3A_487 = arith.constant 0.000000e+00 : f32
        %max3A_488 = vector.broadcast %max3A_487 : f32 to vector<16xf32>
        %max3A_489 = arith.maximumf %add3A_486, %max3A_488 : vector<16xf32>
        %swap3A_490 = arith.index_cast %scan3A_427 : i32 to index
        %swap3A_491 = arith.constant 48 : index
        %swap3A_492 = tpu.vector_load %arg12[%swap3A_490, %swap3A_491] {strides = array<i32>} : memref<80x128xf32, #tpu.memory_space<vmem>>, vector<1x16xf32>,
        %swap3A_493 = vector.shape_cast %swap3A_492 : vector<1x16xf32> to vector<16xf32>
        %swap3A_494 = vector.shape_cast %max3A_489 : vector<16xf32> to vector<1x16xf32>
        tpu.vector_store %arg12[%swap3A_490, %swap3A_491], %swap3A_494 {strides = array<i32>} : memref<80x128xf32, #tpu.memory_space<vmem>>, vector<1x16xf32>,
        %get3A_495 = arith.index_cast %scan3A_427 : i32 to index
        %get3A_496 = arith.constant 64 : index
        %get3A_497 = tpu.vector_load %arg12[%get3A_495, %get3A_496] {strides = array<i32>} : memref<80x128xf32, #tpu.memory_space<vmem>>, vector<1x16xf32>,
        %get3A_498 = vector.shape_cast %get3A_497 : vector<1x16xf32> to vector<16xf32>
        %get3A_499 = arith.index_cast %scan3A_427 : i32 to index
        %get3A_500 = arith.constant 64 : index
        %get3A_501 = tpu.vector_load %arg13[%get3A_499, %get3A_500] {strides = array<i32>} : memref<80x128xf32, #tpu.memory_space<vmem>>, vector<1x16xf32>,
        %get3A_502 = vector.shape_cast %get3A_501 : vector<1x16xf32> to vector<16xf32>
        %add3A_503 = arith.addf %get3A_498, %get3A_502 : vector<16xf32>
        %max3A_504 = arith.constant 0.000000e+00 : f32
        %max3A_505 = vector.broadcast %max3A_504 : f32 to vector<16xf32>
        %max3A_506 = arith.maximumf %add3A_503, %max3A_505 : vector<16xf32>
        %swap3A_507 = arith.index_cast %scan3A_427 : i32 to index
        %swap3A_508 = arith.constant 64 : index
        %swap3A_509 = tpu.vector_load %arg12[%swap3A_507, %swap3A_508] {strides = array<i32>} : memref<80x128xf32, #tpu.memory_space<vmem>>, vector<1x16xf32>,
        %swap3A_510 = vector.shape_cast %swap3A_509 : vector<1x16xf32> to vector<16xf32>
        %swap3A_511 = vector.shape_cast %max3A_506 : vector<16xf32> to vector<1x16xf32>
        tpu.vector_store %arg12[%swap3A_507, %swap3A_508], %swap3A_511 {strides = array<i32>} : memref<80x128xf32, #tpu.memory_space<vmem>>, vector<1x16xf32>,
        %get3A_512 = arith.index_cast %scan3A_427 : i32 to index
        %get3A_513 = arith.constant 80 : index
        %get3A_514 = tpu.vector_load %arg12[%get3A_512, %get3A_513] {strides = array<i32>} : memref<80x128xf32, #tpu.memory_space<vmem>>, vector<1x16xf32>,
        %get3A_515 = vector.shape_cast %get3A_514 : vector<1x16xf32> to vector<16xf32>
        %get3A_516 = arith.index_cast %scan3A_427 : i32 to index
        %get3A_517 = arith.constant 80 : index
        %get3A_518 = tpu.vector_load %arg13[%get3A_516, %get3A_517] {strides = array<i32>} : memref<80x128xf32, #tpu.memory_space<vmem>>, vector<1x16xf32>,
        %get3A_519 = vector.shape_cast %get3A_518 : vector<1x16xf32> to vector<16xf32>
        %add3A_520 = arith.addf %get3A_515, %get3A_519 : vector<16xf32>
        %max3A_521 = arith.constant 0.000000e+00 : f32
        %max3A_522 = vector.broadcast %max3A_521 : f32 to vector<16xf32>
        %max3A_523 = arith.maximumf %add3A_520, %max3A_522 : vector<16xf32>
        %swap3A_524 = arith.index_cast %scan3A_427 : i32 to index
        %swap3A_525 = arith.constant 80 : index
        %swap3A_526 = tpu.vector_load %arg12[%swap3A_524, %swap3A_525] {strides = array<i32>} : memref<80x128xf32, #tpu.memory_space<vmem>>, vector<1x16xf32>,
        %swap3A_527 = vector.shape_cast %swap3A_526 : vector<1x16xf32> to vector<16xf32>
        %swap3A_528 = vector.shape_cast %max3A_523 : vector<16xf32> to vector<1x16xf32>
        tpu.vector_store %arg12[%swap3A_524, %swap3A_525], %swap3A_528 {strides = array<i32>} : memref<80x128xf32, #tpu.memory_space<vmem>>, vector<1x16xf32>,
        %get3A_529 = arith.index_cast %scan3A_427 : i32 to index
        %get3A_530 = arith.constant 96 : index
        %get3A_531 = tpu.vector_load %arg12[%get3A_529, %get3A_530] {strides = array<i32>} : memref<80x128xf32, #tpu.memory_space<vmem>>, vector<1x16xf32>,
        %get3A_532 = vector.shape_cast %get3A_531 : vector<1x16xf32> to vector<16xf32>
        %get3A_533 = arith.index_cast %scan3A_427 : i32 to index
        %get3A_534 = arith.constant 96 : index
        %get3A_535 = tpu.vector_load %arg13[%get3A_533, %get3A_534] {strides = array<i32>} : memref<80x128xf32, #tpu.memory_space<vmem>>, vector<1x16xf32>,
        %get3A_536 = vector.shape_cast %get3A_535 : vector<1x16xf32> to vector<16xf32>
        %add3A_537 = arith.addf %get3A_532, %get3A_536 : vector<16xf32>
        %max3A_538 = arith.constant 0.000000e+00 : f32
        %max3A_539 = vector.broadcast %max3A_538 : f32 to vector<16xf32>
        %max3A_540 = arith.maximumf %add3A_537, %max3A_539 : vector<16xf32>
        %swap3A_541 = arith.index_cast %scan3A_427 : i32 to index
        %swap3A_542 = arith.constant 96 : index
        %swap3A_543 = tpu.vector_load %arg12[%swap3A_541, %swap3A_542] {strides = array<i32>} : memref<80x128xf32, #tpu.memory_space<vmem>>, vector<1x16xf32>,
        %swap3A_544 = vector.shape_cast %swap3A_543 : vector<1x16xf32> to vector<16xf32>
        %swap3A_545 = vector.shape_cast %max3A_540 : vector<16xf32> to vector<1x16xf32>
        tpu.vector_store %arg12[%swap3A_541, %swap3A_542], %swap3A_545 {strides = array<i32>} : memref<80x128xf32, #tpu.memory_space<vmem>>, vector<1x16xf32>,
        %get3A_546 = arith.index_cast %scan3A_427 : i32 to index
        %get3A_547 = arith.constant 112 : index
        %get3A_548 = tpu.vector_load %arg12[%get3A_546, %get3A_547] {strides = array<i32>} : memref<80x128xf32, #tpu.memory_space<vmem>>, vector<1x16xf32>,
        %get3A_549 = vector.shape_cast %get3A_548 : vector<1x16xf32> to vector<16xf32>
        %get3A_550 = arith.index_cast %scan3A_427 : i32 to index
        %get3A_551 = arith.constant 112 : index
        %get3A_552 = tpu.vector_load %arg13[%get3A_550, %get3A_551] {strides = array<i32>} : memref<80x128xf32, #tpu.memory_space<vmem>>, vector<1x16xf32>,
        %get3A_553 = vector.shape_cast %get3A_552 : vector<1x16xf32> to vector<16xf32>
        %add3A_554 = arith.addf %get3A_549, %get3A_553 : vector<16xf32>
        %max3A_555 = arith.constant 0.000000e+00 : f32
        %max3A_556 = vector.broadcast %max3A_555 : f32 to vector<16xf32>
        %max3A_557 = arith.maximumf %add3A_554, %max3A_556 : vector<16xf32>
        %swap3A_558 = arith.index_cast %scan3A_427 : i32 to index
        %swap3A_559 = arith.constant 112 : index
        %swap3A_560 = tpu.vector_load %arg12[%swap3A_558, %swap3A_559] {strides = array<i32>} : memref<80x128xf32, #tpu.memory_space<vmem>>, vector<1x16xf32>,
        %swap3A_561 = vector.shape_cast %swap3A_560 : vector<1x16xf32> to vector<16xf32>
        %swap3A_562 = vector.shape_cast %max3A_557 : vector<16xf32> to vector<1x16xf32>
        tpu.vector_store %arg12[%swap3A_558, %swap3A_559], %swap3A_562 {strides = array<i32>} : memref<80x128xf32, #tpu.memory_space<vmem>>, vector<1x16xf32>,
      }
      %scan3A_412 = arith.constant 80 : i32
      %add3A_413 = arith.constant 1 : i32
      %add3A_414 = arith.addi %add3A_297, %add3A_413 : i32
      %add3A_415 = arith.addi %mul3A_25, %add3A_414 : i32
      %dma_start3A_416 = arith.constant 0 : i32
      %dma_start3A_417 = arith.constant 0 : i32
      %dma_start3A_418 = tpu.memref_slice %arg3[%add3A_415, %dma_start3A_416, %dma_start3A_417] : memref<4000x80x128xf32, #tpu.memory_space<hbm>> -> memref<1x80x128xf32, #tpu.memory_space<hbm>>
      %dma_start3A_419 = tpu.memref_squeeze %dma_start3A_418 : memref<1x80x128xf32, #tpu.memory_space<hbm>> -> memref<80x128xf32, #tpu.memory_space<hbm>>
      %dma_start3A_420 = arith.constant 0 : i32
      %dma_start3A_421 = arith.constant 0 : i32
      %dma_start3A_422 = tpu.memref_slice %arg3[%add3A_415, %dma_start3A_420, %dma_start3A_421] : memref<4000x80x128xf32, #tpu.memory_space<hbm>> -> memref<1x80x128xf32, #tpu.memory_space<hbm>>
      %dma_start3A_423 = tpu.memref_squeeze %dma_start3A_422 : memref<1x80x128xf32, #tpu.memory_space<hbm>> -> memref<80x128xf32, #tpu.memory_space<hbm>>
      tpu.enqueue_dma source(%dma_start3A_423 : memref<80x128xf32, #tpu.memory_space<hbm>>) target(%arg13 : memref<80x128xf32, #tpu.memory_space<vmem>>) target_semaphore(%arg17 : memref<!tpu.dma_semaphore, #tpu.memory_space<semaphore_mem>>)
      %dma_start3A_424 = arith.constant 0 : i32
      %dma_start3A_425 = arith.constant 0 : i32
      %dma_start3A_426 = tpu.memref_slice %arg14[%dma_start3A_424, %dma_start3A_425] : memref<10112x128xf32, #tpu.memory_space<vmem_shared>> -> memref<10112x128xf32, #tpu.memory_space<vmem_shared>>
      tpu.enqueue_indirect_dma source(%arg12 : memref<80x128xf32, #tpu.memory_space<vmem>>) target(%dma_start3A_426 : memref<10112x128xf32, #tpu.memory_space<vmem_shared>>) offsets(%arg10 : memref<80xi32, #tpu.memory_space<vmem>>) semaphore(%arg19 : memref<!tpu.dma_semaphore, #tpu.memory_space<semaphore_mem>>) {add = true}
    }
    %scan3A_134 = arith.constant 62 : i32
    %dma_wait3A = arith.constant 0 : i32
    %dma_wait3A_135 = arith.constant 0 : i32
    %dma_wait3A_136 = tpu.memref_slice %arg14[%dma_wait3A, %dma_wait3A_135] : memref<10112x128xf32, #tpu.memory_space<vmem_shared>> -> memref<10112x128xf32, #tpu.memory_space<vmem_shared>>
    tpu.wait_indirect_dma semaphore(%arg19 : memref<!tpu.dma_semaphore, #tpu.memory_space<semaphore_mem>>) src(%arg12 : memref<80x128xf32, #tpu.memory_space<vmem>>) dst(%dma_wait3A_136 : memref<10112x128xf32, #tpu.memory_space<vmem_shared>>)
    %dma_wait3A_137 = arith.constant 0 : i32
    %dma_wait3A_138 = arith.constant 0 : i32
    %dma_wait3A_139 = tpu.memref_slice %arg2[%dma_wait3A_137, %dma_wait3A_138] : memref<10000x128xf32, #tpu.memory_space<hbm>> -> memref<10000x128xf32, #tpu.memory_space<hbm>>
    tpu.wait_indirect_dma semaphore(%arg15 : memref<!tpu.dma_semaphore, #tpu.memory_space<semaphore_mem>>) src(%dma_wait3A_139 : memref<10000x128xf32, #tpu.memory_space<hbm>>) dst(%arg11 : memref<80x128xf32, #tpu.memory_space<vmem>>)
    %dma_wait3A_140 = arith.constant 0 : i32
    %dma_wait3A_141 = arith.constant 0 : i32
    %dma_wait3A_142 = tpu.memref_slice %arg3[%mul3A_25, %dma_wait3A_140, %dma_wait3A_141] : memref<4000x80x128xf32, #tpu.memory_space<hbm>> -> memref<1x80x128xf32, #tpu.memory_space<hbm>>
    %dma_wait3A_143 = tpu.memref_squeeze %dma_wait3A_142 : memref<1x80x128xf32, #tpu.memory_space<hbm>> -> memref<80x128xf32, #tpu.memory_space<hbm>>
    %dma_wait3A_144 = arith.constant 0 : i32
    %dma_wait3A_145 = arith.constant 0 : i32
    %dma_wait3A_146 = tpu.memref_slice %arg3[%mul3A_25, %dma_wait3A_144, %dma_wait3A_145] : memref<4000x80x128xf32, #tpu.memory_space<hbm>> -> memref<1x80x128xf32, #tpu.memory_space<hbm>>
    %dma_wait3A_147 = tpu.memref_squeeze %dma_wait3A_146 : memref<1x80x128xf32, #tpu.memory_space<hbm>> -> memref<80x128xf32, #tpu.memory_space<hbm>>
    tpu.wait_dma2 semaphore(%arg17 : memref<!tpu.dma_semaphore, #tpu.memory_space<semaphore_mem>>) src(%dma_wait3A_147 : memref<80x128xf32, #tpu.memory_space<hbm>>) dst(%arg13 : memref<80x128xf32, #tpu.memory_space<vmem>>)
    %scan3A_148 = arith.constant 0 : i32
    %scan3A_149 = arith.constant 0 : i32
    %scan3A_150 = arith.constant 80 : i32
    %scan3A_151 = arith.addi %scan3A_149, %scan3A_150 : i32
    %scan3A_152 = arith.constant 1 : i32
    scf.for %scan3A_161 = %scan3A_149 to %scan3A_151 step %scan3A_152  : i32 {
      %get3A_162 = arith.index_cast %scan3A_161 : i32 to index
      %get3A_163 = arith.constant 0 : index
      %get3A_164 = tpu.vector_load %arg11[%get3A_162, %get3A_163] {strides = array<i32>} : memref<80x128xf32, #tpu.memory_space<vmem>>, vector<1x16xf32>,
      %get3A_165 = vector.shape_cast %get3A_164 : vector<1x16xf32> to vector<16xf32>
      %get3A_166 = arith.index_cast %scan3A_161 : i32 to index
      %get3A_167 = arith.constant 0 : index
      %get3A_168 = tpu.vector_load %arg13[%get3A_166, %get3A_167] {strides = array<i32>} : memref<80x128xf32, #tpu.memory_space<vmem>>, vector<1x16xf32>,
      %get3A_169 = vector.shape_cast %get3A_168 : vector<1x16xf32> to vector<16xf32>
      %add3A_170 = arith.addf %get3A_165, %get3A_169 : vector<16xf32>
      %max3A = arith.constant 0.000000e+00 : f32
      %max3A_171 = vector.broadcast %max3A : f32 to vector<16xf32>
      %max3A_172 = arith.maximumf %add3A_170, %max3A_171 : vector<16xf32>
      %swap3A_173 = arith.index_cast %scan3A_161 : i32 to index
      %swap3A_174 = arith.constant 0 : index
      %swap3A_175 = tpu.vector_load %arg11[%swap3A_173, %swap3A_174] {strides = array<i32>} : memref<80x128xf32, #tpu.memory_space<vmem>>, vector<1x16xf32>,
      %swap3A_176 = vector.shape_cast %swap3A_175 : vector<1x16xf32> to vector<16xf32>
      %swap3A_177 = vector.shape_cast %max3A_172 : vector<16xf32> to vector<1x16xf32>
      tpu.vector_store %arg11[%swap3A_173, %swap3A_174], %swap3A_177 {strides = array<i32>} : memref<80x128xf32, #tpu.memory_space<vmem>>, vector<1x16xf32>,
      %get3A_178 = arith.index_cast %scan3A_161 : i32 to index
      %get3A_179 = arith.constant 16 : index
      %get3A_180 = tpu.vector_load %arg11[%get3A_178, %get3A_179] {strides = array<i32>} : memref<80x128xf32, #tpu.memory_space<vmem>>, vector<1x16xf32>,
      %get3A_181 = vector.shape_cast %get3A_180 : vector<1x16xf32> to vector<16xf32>
      %get3A_182 = arith.index_cast %scan3A_161 : i32 to index
      %get3A_183 = arith.constant 16 : index
      %get3A_184 = tpu.vector_load %arg13[%get3A_182, %get3A_183] {strides = array<i32>} : memref<80x128xf32, #tpu.memory_space<vmem>>, vector<1x16xf32>,
      %get3A_185 = vector.shape_cast %get3A_184 : vector<1x16xf32> to vector<16xf32>
      %add3A_186 = arith.addf %get3A_181, %get3A_185 : vector<16xf32>
      %max3A_187 = arith.constant 0.000000e+00 : f32
      %max3A_188 = vector.broadcast %max3A_187 : f32 to vector<16xf32>
      %max3A_189 = arith.maximumf %add3A_186, %max3A_188 : vector<16xf32>
      %swap3A_190 = arith.index_cast %scan3A_161 : i32 to index
      %swap3A_191 = arith.constant 16 : index
      %swap3A_192 = tpu.vector_load %arg11[%swap3A_190, %swap3A_191] {strides = array<i32>} : memref<80x128xf32, #tpu.memory_space<vmem>>, vector<1x16xf32>,
      %swap3A_193 = vector.shape_cast %swap3A_192 : vector<1x16xf32> to vector<16xf32>
      %swap3A_194 = vector.shape_cast %max3A_189 : vector<16xf32> to vector<1x16xf32>
      tpu.vector_store %arg11[%swap3A_190, %swap3A_191], %swap3A_194 {strides = array<i32>} : memref<80x128xf32, #tpu.memory_space<vmem>>, vector<1x16xf32>,
      %get3A_195 = arith.index_cast %scan3A_161 : i32 to index
      %get3A_196 = arith.constant 32 : index
      %get3A_197 = tpu.vector_load %arg11[%get3A_195, %get3A_196] {strides = array<i32>} : memref<80x128xf32, #tpu.memory_space<vmem>>, vector<1x16xf32>,
      %get3A_198 = vector.shape_cast %get3A_197 : vector<1x16xf32> to vector<16xf32>
      %get3A_199 = arith.index_cast %scan3A_161 : i32 to index
      %get3A_200 = arith.constant 32 : index
      %get3A_201 = tpu.vector_load %arg13[%get3A_199, %get3A_200] {strides = array<i32>} : memref<80x128xf32, #tpu.memory_space<vmem>>, vector<1x16xf32>,
      %get3A_202 = vector.shape_cast %get3A_201 : vector<1x16xf32> to vector<16xf32>
      %add3A_203 = arith.addf %get3A_198, %get3A_202 : vector<16xf32>
      %max3A_204 = arith.constant 0.000000e+00 : f32
      %max3A_205 = vector.broadcast %max3A_204 : f32 to vector<16xf32>
      %max3A_206 = arith.maximumf %add3A_203, %max3A_205 : vector<16xf32>
      %swap3A_207 = arith.index_cast %scan3A_161 : i32 to index
      %swap3A_208 = arith.constant 32 : index
      %swap3A_209 = tpu.vector_load %arg11[%swap3A_207, %swap3A_208] {strides = array<i32>} : memref<80x128xf32, #tpu.memory_space<vmem>>, vector<1x16xf32>,
      %swap3A_210 = vector.shape_cast %swap3A_209 : vector<1x16xf32> to vector<16xf32>
      %swap3A_211 = vector.shape_cast %max3A_206 : vector<16xf32> to vector<1x16xf32>
      tpu.vector_store %arg11[%swap3A_207, %swap3A_208], %swap3A_211 {strides = array<i32>} : memref<80x128xf32, #tpu.memory_space<vmem>>, vector<1x16xf32>,
      %get3A_212 = arith.index_cast %scan3A_161 : i32 to index
      %get3A_213 = arith.constant 48 : index
      %get3A_214 = tpu.vector_load %arg11[%get3A_212, %get3A_213] {strides = array<i32>} : memref<80x128xf32, #tpu.memory_space<vmem>>, vector<1x16xf32>,
      %get3A_215 = vector.shape_cast %get3A_214 : vector<1x16xf32> to vector<16xf32>
      %get3A_216 = arith.index_cast %scan3A_161 : i32 to index
      %get3A_217 = arith.constant 48 : index
      %get3A_218 = tpu.vector_load %arg13[%get3A_216, %get3A_217] {strides = array<i32>} : memref<80x128xf32, #tpu.memory_space<vmem>>, vector<1x16xf32>,
      %get3A_219 = vector.shape_cast %get3A_218 : vector<1x16xf32> to vector<16xf32>
      %add3A_220 = arith.addf %get3A_215, %get3A_219 : vector<16xf32>
      %max3A_221 = arith.constant 0.000000e+00 : f32
      %max3A_222 = vector.broadcast %max3A_221 : f32 to vector<16xf32>
      %max3A_223 = arith.maximumf %add3A_220, %max3A_222 : vector<16xf32>
      %swap3A_224 = arith.index_cast %scan3A_161 : i32 to index
      %swap3A_225 = arith.constant 48 : index
      %swap3A_226 = tpu.vector_load %arg11[%swap3A_224, %swap3A_225] {strides = array<i32>} : memref<80x128xf32, #tpu.memory_space<vmem>>, vector<1x16xf32>,
      %swap3A_227 = vector.shape_cast %swap3A_226 : vector<1x16xf32> to vector<16xf32>
      %swap3A_228 = vector.shape_cast %max3A_223 : vector<16xf32> to vector<1x16xf32>
      tpu.vector_store %arg11[%swap3A_224, %swap3A_225], %swap3A_228 {strides = array<i32>} : memref<80x128xf32, #tpu.memory_space<vmem>>, vector<1x16xf32>,
      %get3A_229 = arith.index_cast %scan3A_161 : i32 to index
      %get3A_230 = arith.constant 64 : index
      %get3A_231 = tpu.vector_load %arg11[%get3A_229, %get3A_230] {strides = array<i32>} : memref<80x128xf32, #tpu.memory_space<vmem>>, vector<1x16xf32>,
      %get3A_232 = vector.shape_cast %get3A_231 : vector<1x16xf32> to vector<16xf32>
      %get3A_233 = arith.index_cast %scan3A_161 : i32 to index
      %get3A_234 = arith.constant 64 : index
      %get3A_235 = tpu.vector_load %arg13[%get3A_233, %get3A_234] {strides = array<i32>} : memref<80x128xf32, #tpu.memory_space<vmem>>, vector<1x16xf32>,
      %get3A_236 = vector.shape_cast %get3A_235 : vector<1x16xf32> to vector<16xf32>
      %add3A_237 = arith.addf %get3A_232, %get3A_236 : vector<16xf32>
      %max3A_238 = arith.constant 0.000000e+00 : f32
      %max3A_239 = vector.broadcast %max3A_238 : f32 to vector<16xf32>
      %max3A_240 = arith.maximumf %add3A_237, %max3A_239 : vector<16xf32>
      %swap3A_241 = arith.index_cast %scan3A_161 : i32 to index
      %swap3A_242 = arith.constant 64 : index
      %swap3A_243 = tpu.vector_load %arg11[%swap3A_241, %swap3A_242] {strides = array<i32>} : memref<80x128xf32, #tpu.memory_space<vmem>>, vector<1x16xf32>,
      %swap3A_244 = vector.shape_cast %swap3A_243 : vector<1x16xf32> to vector<16xf32>
      %swap3A_245 = vector.shape_cast %max3A_240 : vector<16xf32> to vector<1x16xf32>
      tpu.vector_store %arg11[%swap3A_241, %swap3A_242], %swap3A_245 {strides = array<i32>} : memref<80x128xf32, #tpu.memory_space<vmem>>, vector<1x16xf32>,
      %get3A_246 = arith.index_cast %scan3A_161 : i32 to index
      %get3A_247 = arith.constant 80 : index
      %get3A_248 = tpu.vector_load %arg11[%get3A_246, %get3A_247] {strides = array<i32>} : memref<80x128xf32, #tpu.memory_space<vmem>>, vector<1x16xf32>,
      %get3A_249 = vector.shape_cast %get3A_248 : vector<1x16xf32> to vector<16xf32>
      %get3A_250 = arith.index_cast %scan3A_161 : i32 to index
      %get3A_251 = arith.constant 80 : index
      %get3A_252 = tpu.vector_load %arg13[%get3A_250, %get3A_251] {strides = array<i32>} : memref<80x128xf32, #tpu.memory_space<vmem>>, vector<1x16xf32>,
      %get3A_253 = vector.shape_cast %get3A_252 : vector<1x16xf32> to vector<16xf32>
      %add3A_254 = arith.addf %get3A_249, %get3A_253 : vector<16xf32>
      %max3A_255 = arith.constant 0.000000e+00 : f32
      %max3A_256 = vector.broadcast %max3A_255 : f32 to vector<16xf32>
      %max3A_257 = arith.maximumf %add3A_254, %max3A_256 : vector<16xf32>
      %swap3A_258 = arith.index_cast %scan3A_161 : i32 to index
      %swap3A_259 = arith.constant 80 : index
      %swap3A_260 = tpu.vector_load %arg11[%swap3A_258, %swap3A_259] {strides = array<i32>} : memref<80x128xf32, #tpu.memory_space<vmem>>, vector<1x16xf32>,
      %swap3A_261 = vector.shape_cast %swap3A_260 : vector<1x16xf32> to vector<16xf32>
      %swap3A_262 = vector.shape_cast %max3A_257 : vector<16xf32> to vector<1x16xf32>
      tpu.vector_store %arg11[%swap3A_258, %swap3A_259], %swap3A_262 {strides = array<i32>} : memref<80x128xf32, #tpu.memory_space<vmem>>, vector<1x16xf32>,
      %get3A_263 = arith.index_cast %scan3A_161 : i32 to index
      %get3A_264 = arith.constant 96 : index
      %get3A_265 = tpu.vector_load %arg11[%get3A_263, %get3A_264] {strides = array<i32>} : memref<80x128xf32, #tpu.memory_space<vmem>>, vector<1x16xf32>,
      %get3A_266 = vector.shape_cast %get3A_265 : vector<1x16xf32> to vector<16xf32>
      %get3A_267 = arith.index_cast %scan3A_161 : i32 to index
      %get3A_268 = arith.constant 96 : index
      %get3A_269 = tpu.vector_load %arg13[%get3A_267, %get3A_268] {strides = array<i32>} : memref<80x128xf32, #tpu.memory_space<vmem>>, vector<1x16xf32>,
      %get3A_270 = vector.shape_cast %get3A_269 : vector<1x16xf32> to vector<16xf32>
      %add3A_271 = arith.addf %get3A_266, %get3A_270 : vector<16xf32>
      %max3A_272 = arith.constant 0.000000e+00 : f32
      %max3A_273 = vector.broadcast %max3A_272 : f32 to vector<16xf32>
      %max3A_274 = arith.maximumf %add3A_271, %max3A_273 : vector<16xf32>
      %swap3A_275 = arith.index_cast %scan3A_161 : i32 to index
      %swap3A_276 = arith.constant 96 : index
      %swap3A_277 = tpu.vector_load %arg11[%swap3A_275, %swap3A_276] {strides = array<i32>} : memref<80x128xf32, #tpu.memory_space<vmem>>, vector<1x16xf32>,
      %swap3A_278 = vector.shape_cast %swap3A_277 : vector<1x16xf32> to vector<16xf32>
      %swap3A_279 = vector.shape_cast %max3A_274 : vector<16xf32> to vector<1x16xf32>
      tpu.vector_store %arg11[%swap3A_275, %swap3A_276], %swap3A_279 {strides = array<i32>} : memref<80x128xf32, #tpu.memory_space<vmem>>, vector<1x16xf32>,
      %get3A_280 = arith.index_cast %scan3A_161 : i32 to index
      %get3A_281 = arith.constant 112 : index
      %get3A_282 = tpu.vector_load %arg11[%get3A_280, %get3A_281] {strides = array<i32>} : memref<80x128xf32, #tpu.memory_space<vmem>>, vector<1x16xf32>,
      %get3A_283 = vector.shape_cast %get3A_282 : vector<1x16xf32> to vector<16xf32>
      %get3A_284 = arith.index_cast %scan3A_161 : i32 to index
      %get3A_285 = arith.constant 112 : index
      %get3A_286 = tpu.vector_load %arg13[%get3A_284, %get3A_285] {strides = array<i32>} : memref<80x128xf32, #tpu.memory_space<vmem>>, vector<1x16xf32>,
      %get3A_287 = vector.shape_cast %get3A_286 : vector<1x16xf32> to vector<16xf32>
      %add3A_288 = arith.addf %get3A_283, %get3A_287 : vector<16xf32>
      %max3A_289 = arith.constant 0.000000e+00 : f32
      %max3A_290 = vector.broadcast %max3A_289 : f32 to vector<16xf32>
      %max3A_291 = arith.maximumf %add3A_288, %max3A_290 : vector<16xf32>
      %swap3A_292 = arith.index_cast %scan3A_161 : i32 to index
      %swap3A_293 = arith.constant 112 : index
      %swap3A_294 = tpu.vector_load %arg11[%swap3A_292, %swap3A_293] {strides = array<i32>} : memref<80x128xf32, #tpu.memory_space<vmem>>, vector<1x16xf32>,
      %swap3A_295 = vector.shape_cast %swap3A_294 : vector<1x16xf32> to vector<16xf32>
      %swap3A_296 = vector.shape_cast %max3A_291 : vector<16xf32> to vector<1x16xf32>
      tpu.vector_store %arg11[%swap3A_292, %swap3A_293], %swap3A_296 {strides = array<i32>} : memref<80x128xf32, #tpu.memory_space<vmem>>, vector<1x16xf32>,
    }
    %scan3A_153 = arith.constant 80 : i32
    %dma_start3A_154 = arith.constant 0 : i32
    %dma_start3A_155 = arith.constant 0 : i32
    %dma_start3A_156 = tpu.memref_slice %arg14[%dma_start3A_154, %dma_start3A_155] : memref<10112x128xf32, #tpu.memory_space<vmem_shared>> -> memref<10112x128xf32, #tpu.memory_space<vmem_shared>>
    tpu.enqueue_indirect_dma source(%arg11 : memref<80x128xf32, #tpu.memory_space<vmem>>) target(%dma_start3A_156 : memref<10112x128xf32, #tpu.memory_space<vmem_shared>>) offsets(%arg9 : memref<80xi32, #tpu.memory_space<vmem>>) semaphore(%arg18 : memref<!tpu.dma_semaphore, #tpu.memory_space<semaphore_mem>>) {add = true}
    %dma_wait3A_157 = arith.constant 0 : i32
    %dma_wait3A_158 = arith.constant 0 : i32
    %dma_wait3A_159 = tpu.memref_slice %arg14[%dma_wait3A_157, %dma_wait3A_158] : memref<10112x128xf32, #tpu.memory_space<vmem_shared>> -> memref<10112x128xf32, #tpu.memory_space<vmem_shared>>
    tpu.wait_indirect_dma semaphore(%arg18 : memref<!tpu.dma_semaphore, #tpu.memory_space<semaphore_mem>>) src(%arg11 : memref<80x128xf32, #tpu.memory_space<vmem>>) dst(%dma_wait3A_159 : memref<10112x128xf32, #tpu.memory_space<vmem_shared>>)
    %barrier3A_160 = arith.constant 0 : index
    tpu.barrier barrier_id(%barrier3A_160)
    "tpu.region"() ({
      %run_scoped3A = tpu.sem_alloc : memref<!tpu.dma_semaphore, #tpu.memory_space<semaphore_mem>>
      %dma_start3A_161 = arith.constant 0 : i32
      %dma_start3A_162 = tpu.memref_slice %arg5[%arg0, %mul3A_7, %dma_start3A_161] : memref<2x10112x128xf32, #tpu.memory_space<hbm>> -> memref<1x632x128xf32, #tpu.memory_space<hbm>>
      %dma_start3A_163 = tpu.memref_squeeze %dma_start3A_162 : memref<1x632x128xf32, #tpu.memory_space<hbm>> -> memref<632x128xf32, #tpu.memory_space<hbm>>
      %dma_start3A_164 = arith.constant 0 : i32
      %dma_start3A_165 = tpu.memref_slice %arg14[%mul3A_7, %dma_start3A_164] : memref<10112x128xf32, #tpu.memory_space<vmem_shared>> -> memref<632x128xf32, #tpu.memory_space<vmem_shared>>
      tpu.enqueue_dma source(%dma_start3A_165 : memref<632x128xf32, #tpu.memory_space<vmem_shared>>) target(%dma_start3A_163 : memref<632x128xf32, #tpu.memory_space<hbm>>) target_semaphore(%run_scoped3A : memref<!tpu.dma_semaphore, #tpu.memory_space<semaphore_mem>>)
      %dma_wait3A_166 = arith.constant 0 : i32
      %dma_wait3A_167 = tpu.memref_slice %arg5[%arg0, %mul3A_7, %dma_wait3A_166] : memref<2x10112x128xf32, #tpu.memory_space<hbm>> -> memref<1x632x128xf32, #tpu.memory_space<hbm>>
      %dma_wait3A_168 = tpu.memref_squeeze %dma_wait3A_167 : memref<1x632x128xf32, #tpu.memory_space<hbm>> -> memref<632x128xf32, #tpu.memory_space<hbm>>
      %dma_wait3A_169 = arith.constant 0 : i32
      %dma_wait3A_170 = tpu.memref_slice %arg14[%mul3A_7, %dma_wait3A_169] : memref<10112x128xf32, #tpu.memory_space<vmem_shared>> -> memref<632x128xf32, #tpu.memory_space<vmem_shared>>
      tpu.wait_dma2 semaphore(%run_scoped3A : memref<!tpu.dma_semaphore, #tpu.memory_space<semaphore_mem>>) src(%dma_wait3A_170 : memref<632x128xf32, #tpu.memory_space<vmem_shared>>) dst(%dma_wait3A_168 : memref<632x128xf32, #tpu.memory_space<hbm>>)
      tpu.yield
    }) : () -> ()
    return
  }
}

module attributes {stable_mosaic.version = 14 : i64} {
  func.func @body(%arg0: i32, %arg1: memref<2000x128xf32, #tpu.memory_space<vmem>>, %arg2: memref<128x128xf32, #tpu.memory_space<vmem>>, %arg3: memref<1x128xf32, #tpu.memory_space<vmem>>, %arg4: memref<2000x128xf32, #tpu.memory_space<vmem>>) attributes {dimension_semantics = [#tpu.dimension_semantics<arbitrary>], iteration_bounds = array<i64: 5>, scalar_prefetch = 0 : i64, scratch_operands = 0 : i64, tpu.core_type = #tpu.core_type<tc>, window_params = [{transform_indices = @transform_0, window_bounds = array<i64: 2000, 128>}, {pipeline_mode = #tpu.pipeline_mode<synchronous>, transform_indices = @transform_1, window_bounds = array<i64: 128, 128>}, {pipeline_mode = #tpu.pipeline_mode<synchronous>, transform_indices = @transform_2, window_bounds = array<i64: 1, 128>}, {transform_indices = @transform_3, window_bounds = array<i64: 2000, 128>}]} {
    %get3A = arith.constant 0 : index
    %get3A_0 = arith.constant 0 : index
    %get3A_1 = vector.load %arg1[%get3A, %get3A_0] : memref<2000x128xf32, #tpu.memory_space<vmem>>, vector<2000x128xf32>
    %get3A_2 = arith.constant 0 : index
    %get3A_3 = arith.constant 0 : index
    %get3A_4 = vector.load %arg2[%get3A_2, %get3A_3] : memref<128x128xf32, #tpu.memory_space<vmem>>, vector<128x128xf32>
    %dot_general3A = arith.constant dense<0.000000e+00> : vector<2000x128xf32>
    %dot_general3A_5 = tpu.matmul %get3A_1, %get3A_4, %dot_general3A {dimension_numbers = #tpu.dot_dimension_numbers<[1], [0], [0], [1], [0, 0, 1, 1], [], []>, transpose_lhs_hint = false} : vector<2000x128xf32>, vector<128x128xf32>, vector<2000x128xf32> -> vector<2000x128xf32>
    %get3A_6 = arith.constant 0 : index
    %get3A_7 = arith.constant 0 : index
    %get3A_8 = vector.load %arg3[%get3A_6, %get3A_7] : memref<1x128xf32, #tpu.memory_space<vmem>>, vector<1x128xf32>
    %add3A = vector.broadcast %get3A_8 : vector<1x128xf32> to vector<2000x128xf32>
    %add3A_9 = arith.addf %dot_general3A_5, %add3A : vector<2000x128xf32>
    %swap3A = arith.constant 0 : index
    %swap3A_10 = arith.constant 0 : index
    %swap3A_11 = vector.load %arg4[%swap3A, %swap3A_10] : memref<2000x128xf32, #tpu.memory_space<vmem>>, vector<2000x128xf32>
    tpu.vector_store %arg4[%swap3A, %swap3A_10], %add3A_9 {strides = array<i32>} : memref<2000x128xf32, #tpu.memory_space<vmem>>, vector<2000x128xf32>,
    return
  }
  func.func @transform_0(%arg0: i32) -> (i32, i32) {
    %c0_i32 = arith.constant 0 : i32
    %c0_i32_0 = arith.constant 0 : i32
    return %arg0, %c0_i32 : i32, i32
  }
  func.func @transform_1(%arg0: i32) -> (i32, i32) {
    %c0_i32 = arith.constant 0 : i32
    %c0_i32_0 = arith.constant 0 : i32
    %c0_i32_1 = arith.constant 0 : i32
    return %c0_i32, %c0_i32_0 : i32, i32
  }
  func.func @transform_2(%arg0: i32) -> (i32, i32) {
    %c0_i32 = arith.constant 0 : i32
    %c0_i32_0 = arith.constant 0 : i32
    %c0_i32_1 = arith.constant 0 : i32
    return %c0_i32, %c0_i32_0 : i32, i32
  }
  func.func @transform_3(%arg0: i32) -> (i32, i32) {
    %c0_i32 = arith.constant 0 : i32
    %c0_i32_0 = arith.constant 0 : i32
    return %arg0, %c0_i32 : i32, i32
  }
}

module attributes {stable_mosaic.version = 14 : i64} {
  func.func @body(%arg0: i32, %arg1: memref<16x12800xf32, #tpu.memory_space<vmem>>, %arg2: memref<16x128xf32, #tpu.memory_space<vmem>>, %arg3: memref<1x128xf32, #tpu.memory_space<vmem>>, %arg4: memref<160x80x128xf32, #tpu.memory_space<vmem>>) attributes {dimension_semantics = [#tpu.dimension_semantics<arbitrary>], iteration_bounds = array<i64: 25>, scalar_prefetch = 0 : i64, scratch_operands = 0 : i64, tpu.core_type = #tpu.core_type<tc>, window_params = [{transform_indices = @transform_0, window_bounds = array<i64: 16, 12800>}, {pipeline_mode = #tpu.pipeline_mode<synchronous>, transform_indices = @transform_1, window_bounds = array<i64: 16, 128>}, {pipeline_mode = #tpu.pipeline_mode<synchronous>, transform_indices = @transform_2, window_bounds = array<i64: 1, 128>}, {transform_indices = @transform_3, window_bounds = array<i64: 160, 80, 128>}]} {
    %get3A = arith.constant 0 : index
    %get3A_0 = arith.constant 0 : index
    %get3A_1 = vector.load %arg1[%get3A, %get3A_0] : memref<16x12800xf32, #tpu.memory_space<vmem>>, vector<16x12800xf32>
    %get3A_2 = arith.constant 0 : index
    %get3A_3 = arith.constant 0 : index
    %get3A_4 = vector.load %arg2[%get3A_2, %get3A_3] : memref<16x128xf32, #tpu.memory_space<vmem>>, vector<16x128xf32>
    %dot_general3A = arith.constant dense<0.000000e+00> : vector<12800x128xf32>
    %dot_general3A_5 = tpu.matmul %get3A_1, %get3A_4, %dot_general3A {dimension_numbers = #tpu.dot_dimension_numbers<[0], [0], [1], [1], [0, 1, 1, 1], [], []>, transpose_lhs_hint = false} : vector<16x12800xf32>, vector<16x128xf32>, vector<12800x128xf32> -> vector<12800x128xf32>
    %get3A_6 = arith.constant 0 : index
    %get3A_7 = arith.constant 0 : index
    %get3A_8 = vector.load %arg3[%get3A_6, %get3A_7] : memref<1x128xf32, #tpu.memory_space<vmem>>, vector<1x128xf32>
    %add3A = vector.broadcast %get3A_8 : vector<1x128xf32> to vector<12800x128xf32>
    %add3A_9 = arith.addf %dot_general3A_5, %add3A : vector<12800x128xf32>
    %reshape3A = vector.shape_cast %add3A_9 : vector<12800x128xf32> to vector<160x80x128xf32>
    %swap3A = arith.constant 0 : index
    %swap3A_10 = arith.constant 0 : index
    %swap3A_11 = arith.constant 0 : index
    %swap3A_12 = vector.load %arg4[%swap3A, %swap3A_10, %swap3A_11] : memref<160x80x128xf32, #tpu.memory_space<vmem>>, vector<160x80x128xf32>
    tpu.vector_store %arg4[%swap3A, %swap3A_10, %swap3A_11], %reshape3A {strides = array<i32>} : memref<160x80x128xf32, #tpu.memory_space<vmem>>, vector<160x80x128xf32>,
    return
  }
  func.func @transform_0(%arg0: i32) -> (i32, i32) {
    %add3A = arith.constant 0 : i32
    %add3A_0 = arith.addi %arg0, %add3A : i32
    %c0_i32 = arith.constant 0 : i32
    %c0_i32_1 = arith.constant 0 : i32
    return %c0_i32, %add3A_0 : i32, i32
  }
  func.func @transform_1(%arg0: i32) -> (i32, i32) {
    %c0_i32 = arith.constant 0 : i32
    %c0_i32_0 = arith.constant 0 : i32
    %c0_i32_1 = arith.constant 0 : i32
    return %c0_i32, %c0_i32_0 : i32, i32
  }
  func.func @transform_2(%arg0: i32) -> (i32, i32) {
    %c0_i32 = arith.constant 0 : i32
    %c0_i32_0 = arith.constant 0 : i32
    %c0_i32_1 = arith.constant 0 : i32
    return %c0_i32, %c0_i32_0 : i32, i32
  }
  func.func @transform_3(%arg0: i32) -> (i32, i32, i32) {
    %c0_i32 = arith.constant 0 : i32
    %c0_i32_0 = arith.constant 0 : i32
    %c0_i32_1 = arith.constant 0 : i32
    return %arg0, %c0_i32, %c0_i32_0 : i32, i32, i32
  }
}

module attributes {stable_mosaic.version = 14 : i64} {
  func.func @body(%arg0: i32, %arg1: memref<2000x128xf32, #tpu.memory_space<vmem>>, %arg2: memref<2x2000x128xf32, #tpu.memory_space<vmem>>, %arg3: memref<128x128xf32, #tpu.memory_space<vmem>>, %arg4: memref<128x128xf32, #tpu.memory_space<vmem>>, %arg5: memref<1x128xf32, #tpu.memory_space<vmem>>, %arg6: memref<2000x128xf32, #tpu.memory_space<vmem>>) attributes {dimension_semantics = [#tpu.dimension_semantics<arbitrary>], iteration_bounds = array<i64: 5>, scalar_prefetch = 0 : i64, scratch_operands = 0 : i64, tpu.core_type = #tpu.core_type<tc>, window_params = [{transform_indices = @transform_0, window_bounds = array<i64: 2000, 128>}, {transform_indices = @transform_1, window_bounds = array<i64: 2, 2000, 128>}, {pipeline_mode = #tpu.pipeline_mode<synchronous>, transform_indices = @transform_2, window_bounds = array<i64: 128, 128>}, {pipeline_mode = #tpu.pipeline_mode<synchronous>, transform_indices = @transform_3, window_bounds = array<i64: 128, 128>}, {pipeline_mode = #tpu.pipeline_mode<synchronous>, transform_indices = @transform_4, window_bounds = array<i64: 1, 128>}, {transform_indices = @transform_5, window_bounds = array<i64: 2000, 128>}]} {
    %get3A = arith.constant 0 : index
    %get3A_0 = arith.constant 0 : index
    %get3A_1 = arith.constant 0 : index
    %get3A_2 = vector.load %arg2[%get3A, %get3A_0, %get3A_1] : memref<2x2000x128xf32, #tpu.memory_space<vmem>>, vector<1x2000x128xf32>
    %get3A_3 = vector.shape_cast %get3A_2 : vector<1x2000x128xf32> to vector<2000x128xf32>
    %get3A_4 = arith.constant 1 : index
    %get3A_5 = arith.constant 0 : index
    %get3A_6 = arith.constant 0 : index
    %get3A_7 = vector.load %arg2[%get3A_4, %get3A_5, %get3A_6] : memref<2x2000x128xf32, #tpu.memory_space<vmem>>, vector<1x2000x128xf32>
    %get3A_8 = vector.shape_cast %get3A_7 : vector<1x2000x128xf32> to vector<2000x128xf32>
    %add3A = arith.addf %get3A_3, %get3A_8 : vector<2000x128xf32>
    %get3A_9 = arith.constant 0 : index
    %get3A_10 = arith.constant 0 : index
    %get3A_11 = vector.load %arg1[%get3A_9, %get3A_10] : memref<2000x128xf32, #tpu.memory_space<vmem>>, vector<2000x128xf32>
    %get3A_12 = arith.constant 0 : index
    %get3A_13 = arith.constant 0 : index
    %get3A_14 = vector.load %arg3[%get3A_12, %get3A_13] : memref<128x128xf32, #tpu.memory_space<vmem>>, vector<128x128xf32>
    %dot_general3A = arith.constant dense<0.000000e+00> : vector<2000x128xf32>
    %dot_general3A_15 = tpu.matmul %get3A_11, %get3A_14, %dot_general3A {dimension_numbers = #tpu.dot_dimension_numbers<[1], [0], [0], [1], [0, 0, 1, 1], [], []>, transpose_lhs_hint = false} : vector<2000x128xf32>, vector<128x128xf32>, vector<2000x128xf32> -> vector<2000x128xf32>
    %get3A_16 = arith.constant 0 : index
    %get3A_17 = arith.constant 0 : index
    %get3A_18 = vector.load %arg4[%get3A_16, %get3A_17] : memref<128x128xf32, #tpu.memory_space<vmem>>, vector<128x128xf32>
    %dot_general3A_19 = arith.constant dense<0.000000e+00> : vector<2000x128xf32>
    %dot_general3A_20 = tpu.matmul %add3A, %get3A_18, %dot_general3A_19 {dimension_numbers = #tpu.dot_dimension_numbers<[1], [0], [0], [1], [0, 0, 1, 1], [], []>, transpose_lhs_hint = false} : vector<2000x128xf32>, vector<128x128xf32>, vector<2000x128xf32> -> vector<2000x128xf32>
    %add3A_21 = arith.addf %dot_general3A_15, %dot_general3A_20 : vector<2000x128xf32>
    %get3A_22 = arith.constant 0 : index
    %get3A_23 = arith.constant 0 : index
    %get3A_24 = vector.load %arg5[%get3A_22, %get3A_23] : memref<1x128xf32, #tpu.memory_space<vmem>>, vector<1x128xf32>
    %add3A_25 = vector.broadcast %get3A_24 : vector<1x128xf32> to vector<2000x128xf32>
    %add3A_26 = arith.addf %add3A_21, %add3A_25 : vector<2000x128xf32>
    %max3A = arith.constant 0.000000e+00 : f32
    %max3A_27 = vector.broadcast %max3A : f32 to vector<2000x128xf32>
    %max3A_28 = arith.maximumf %add3A_26, %max3A_27 : vector<2000x128xf32>
    %swap3A = arith.constant 0 : index
    %swap3A_29 = arith.constant 0 : index
    %swap3A_30 = vector.load %arg6[%swap3A, %swap3A_29] : memref<2000x128xf32, #tpu.memory_space<vmem>>, vector<2000x128xf32>
    tpu.vector_store %arg6[%swap3A, %swap3A_29], %max3A_28 {strides = array<i32>} : memref<2000x128xf32, #tpu.memory_space<vmem>>, vector<2000x128xf32>,
    return
  }
  func.func @transform_0(%arg0: i32) -> (i32, i32) {
    %c0_i32 = arith.constant 0 : i32
    %c0_i32_0 = arith.constant 0 : i32
    return %arg0, %c0_i32 : i32, i32
  }
  func.func @transform_1(%arg0: i32) -> (i32, i32, i32) {
    %c0_i32 = arith.constant 0 : i32
    %c0_i32_0 = arith.constant 0 : i32
    %c0_i32_1 = arith.constant 0 : i32
    return %c0_i32, %arg0, %c0_i32_0 : i32, i32, i32
  }
  func.func @transform_2(%arg0: i32) -> (i32, i32) {
    %c0_i32 = arith.constant 0 : i32
    %c0_i32_0 = arith.constant 0 : i32
    %c0_i32_1 = arith.constant 0 : i32
    return %c0_i32, %c0_i32_0 : i32, i32
  }
  func.func @transform_3(%arg0: i32) -> (i32, i32) {
    %c0_i32 = arith.constant 0 : i32
    %c0_i32_0 = arith.constant 0 : i32
    %c0_i32_1 = arith.constant 0 : i32
    return %c0_i32, %c0_i32_0 : i32, i32
  }
  func.func @transform_4(%arg0: i32) -> (i32, i32) {
    %c0_i32 = arith.constant 0 : i32
    %c0_i32_0 = arith.constant 0 : i32
    %c0_i32_1 = arith.constant 0 : i32
    return %c0_i32, %c0_i32_0 : i32, i32
  }
  func.func @transform_5(%arg0: i32) -> (i32, i32) {
    %c0_i32 = arith.constant 0 : i32
    %c0_i32_0 = arith.constant 0 : i32
    return %arg0, %c0_i32 : i32, i32
  }
}

</mosaic_0001>

<sc_bundles>
// kernel: kernel.6.cloned.1.call-start
scs
__scs_entry_jumppad:
0x0: {  	(pc) =	sbr.rel $0x88, $3  }
0x1: {  	(tag) =	ssettag $0x0;
	lr =	simm.s32 $0x1  }
0x2: {  	[smem:$0x3F9A] =	sst lr;
	_ =	strace $0xD0000000  }
0x3: {  	_ = 	snop  }
0x4: {  	_ = 	snop  }
0x5: {  	_ = 	snop  }
0x6: {  	_ = 	snop  }
0x7: {  	_ = 	snop  }
__scs_overlays_trampoline_lowered:
0x8: {  	[smem:$0x3FA9] =	sst s0  }
0x9: {  	[smem:$0x3FAA] =	sst s1  }
0xa: {  	[smem:$0x3FAB] =	sst s2  }
0xb: {  	[smem:$0x3FAC] =	sst s3  }
0xc: {  	[smem:$0x3FAD] =	sst s4  }
0xd: {  	[smem:$0x3FAE] =	sst s5  }
0xe: {  	[smem:$0x3FAF] =	sst s6  }
0xf: {  	[smem:$0x3FB0] =	sst s7  }
0x10: {  	[smem:$0x3FB1] =	sst s8  }
0x11: {  	[smem:$0x3FB2] =	sst s9;
	s0 =	simm.s32 @!p0 $0x0  }
0x12: {  	s1 =	sld [smem:$0x3F98];
	s0 =	simm.s32 @p0 $0x1  }
0x13: {  	[smem:$0x3FB3] =	sst s0;
	s0 =	simm.s32 @!p1 $0x0  }
0x14: {  	s2 =	sld [smem:$0x3F97];
	s0 =	simm.s32 @p1 $0x1  }
0x15: {  	[smem:$0x3FB4] =	sst s0;
	s0 =	simm.s32 @!p2 $0x0  }
0x16: {  	s3 =	sld [smem:$0x3FDB];
	s0 =	simm.s32 @p2 $0x1  }
0x17: {  	s4 =	simm.s32 $0x1BF5;
	[smem:$0x3FB6] =	sst s0  }
0x18: {  	s0 =	sld [smem:$0x3F99];
	_ =	swait.ge [sflag:s4], $0x0  }
0x19: {  	s7 =	sld [smem:$0x3F9A]  }
0x1a: {  	s8 =	sadd.s32 $0xFFFFE003, lr  }
0x1b: {  	s9 =	sadd.s32 $0xFFFFFEF7, lr;
	s5 =	simm.s32 $0xFFFFFFFF;
	p2 =	slt.u32 s8, $0xFFFFF086  }
0x1c: {  	p1 =	slt.u32 s9, $0xF7A;
	s5 =	simm.s32 @!p2 $0x0  }
0x1d: {  	s5 =	simm.s32 @p1 $0x1;
	p0 =	seq.s32 s7, s2  }
0x1e: {  	s7 =	smul.u32 @!p0 $0xF7A, s2;
	p2 =	seq.s32 @!p0 s5, $0x0  }
0x1f: {  	s9 =	smul.u32 $0xF7A, s1;
	s8 =	simm.s32 @!p0 $0x1BF5;
	p2 =	por !p2, p0  }
0x20: {  	[sflag:s8] =	ssyncset.s32 @!p0 $0xFFFFF086;
	s6 =	sadd.s32 @!p0 s3, s7;
	s7 =	simm.s32 @!p0 $0x108  }
0x21: {  	s3 =	sadd.s32 s3, s9;
	s6 =	sadd.s32 @!p0 $0x88, s6;
	s7 =	simm.s32 @p2 $0x1082  }
0x22: {  	[simem:s7], [sflag:s8] =	dma.local @!p0 [hbm:s6], $0xF7A  }
0x23: {  	s9 =	sor.u32 $0xD0000000, s2;
	s6 =	simm.s32 $0x108;
	_ =	swait.ge @!p0 [sflag:s8], $0x0  }
0x24: {  	s3 =	sadd.s32 $0x88, s3;
	s6 =	simm.s32 @!p1 $0x1082;
	[sflag:s4] =	ssyncset.s32 $0xFFFFF086  }
0x25: {  	[simem:s6], [sflag:s4] =	dma.local [hbm:s3], $0xF7A  }
0x26: {  	[smem:$0x3F9A] =	sst s1;
	(tag) =	ssettag s2;
	_ =	strace s9  }
0x27: {  	s1 =	sld [smem:$0x3FAA]  }
0x28: {  	s2 =	sld [smem:$0x3FAB]  }
0x29: {  	s4 =	sld [smem:$0x3FAD]  }
0x2a: {  	p0 =	seq.s32 s5, $0x0;
	s5 =	sld [smem:$0x3FAE]  }
0x2b: {  	s6 =	sld [smem:$0x3FAF]  }
0x2c: {  	s7 =	sld [smem:$0x3FB0]  }
0x2d: {  	s3 =	simm.s32 $0x108;
	s8 =	sld [smem:$0x3FB1]  }
0x2e: {  	s3 =	simm.s32 @!p0 $0x1082;
	s9 =	sld [smem:$0x3FB2]  }
0x2f: {  	lr =	sadd.s32 s0, s3;
	s0 =	sld [smem:$0x3FA9]  }
0x30: {  	s3 =	sld [smem:$0x3FAC]  }
0x31: {  	[smem:$0x3FB5] =	sst s10  }
0x32: {  	s10 =	sld [smem:$0x3FB3];
	_ =	sdelay $0x3  }
0x33: {  	p0 =	seq.s32 s10, $0x1;
	s10 =	sld [smem:$0x3FB5];
	_ =	sdelay $0x3  }
0x34: {  	[smem:$0x3FB5] =	sst s10  }
0x35: {  	s10 =	sld [smem:$0x3FB4];
	_ =	sdelay $0x3  }
0x36: {  	p1 =	seq.s32 s10, $0x1;
	s10 =	sld [smem:$0x3FB5];
	_ =	sdelay $0x3  }
0x37: {  	[smem:$0x3FB5] =	sst s10  }
0x38: {  	s10 =	sld [smem:$0x3FB6]  }
0x39: {  	_ = 	snop;
	(pc) =	sbr.ind lr, $3  }
0x3a: {  	_ = 	snop  }
0x3b: {  	_ = 	snop  }
0x3c: {  	p2 =	seq.s32 s10, $0x1;
	s10 =	sld [smem:$0x3FB5]  }
0x3d: {  	_ =	shalt  }
0x3e: {  	_ =	shalt  }
0x3f: {  	_ =	shalt  }
0x40: {  	_ =	shalt  }
0x41: {  	_ =	shalt  }
0x42: {  	_ =	shalt  }
0x43: {  	_ =	shalt  }
0x44: {  	_ =	shalt  }
0x45: {  	_ =	shalt  }
0x46: {  	_ =	shalt  }
0x47: {  	_ =	shalt  }
0x48: {  	_ =	shalt  }
0x49: {  	_ =	shalt  }
0x4a: {  	_ =	shalt  }
0x4b: {  	_ =	shalt  }
0x4c: {  	_ =	shalt  }
0x4d: {  	_ =	shalt  }
0x4e: {  	_ =	shalt  }
0x4f: {  	_ =	shalt  }
0x50: {  	_ =	shalt  }
0x51: {  	_ =	shalt  }
0x52: {  	_ =	shalt  }
0x53: {  	_ =	shalt  }
0x54: {  	_ =	shalt  }
0x55: {  	_ =	shalt  }
0x56: {  	_ =	shalt  }
0x57: {  	_ =	shalt  }
0x58: {  	_ =	shalt  }
0x59: {  	_ =	shalt  }
0x5a: {  	_ =	shalt  }
0x5b: {  	_ =	shalt  }
0x5c: {  	_ =	shalt  }
0x5d: {  	_ =	shalt  }
0x5e: {  	_ =	shalt  }
0x5f: {  	_ =	shalt  }
0x60: {  	_ =	shalt  }
0x61: {  	_ =	shalt  }
0x62: {  	_ =	shalt  }
0x63: {  	_ =	shalt  }
0x64: {  	_ =	shalt  }
0x65: {  	_ =	shalt  }
0x66: {  	_ =	shalt  }
0x67: {  	_ =	shalt  }
0x68: {  	_ =	shalt  }
0x69: {  	_ =	shalt  }
0x6a: {  	_ =	shalt  }
0x6b: {  	_ =	shalt  }
0x6c: {  	_ =	shalt  }
0x6d: {  	_ =	shalt  }
0x6e: {  	_ =	shalt  }
0x6f: {  	_ =	shalt  }
0x70: {  	_ =	shalt  }
0x71: {  	_ =	shalt  }
0x72: {  	_ =	shalt  }
0x73: {  	_ =	shalt  }
0x74: {  	_ =	shalt  }
0x75: {  	_ =	shalt  }
0x76: {  	_ =	shalt  }
0x77: {  	_ =	shalt  }
0x78: {  	_ =	shalt  }
0x79: {  	_ =	shalt  }
0x7a: {  	_ =	shalt  }
0x7b: {  	_ =	shalt  }
0x7c: {  	_ =	shalt  }
0x7d: {  	_ =	shalt  }
0x7e: {  	_ =	shalt  }
0x7f: {  	_ =	shalt  }
0x80: {  	_ =	shalt  }
0x81: {  	_ =	shalt  }
0x82: {  	_ =	shalt  }
0x83: {  	_ =	shalt  }
0x84: {  	_ =	shalt  }
0x85: {  	_ =	shalt  }
0x86: {  	_ =	shalt  }
0x87: {  	_ =	shalt  }
.Lfunc_end0:
.L_simem_size_0:
called_computation_lowered:
.L_overlay_start_0:
0x88: {  	s2 =	sld [smem:$0x3FD9]  }
0x89: {  	s3 =	sld [smem:$0x3FFE];
	_ =	sdelay $0x1  }
0x8a: {  	s1 =	srdreg.scid  }
0x8b: {  	s0 =	sand.u32 $0x1, s1  }
0x8c: {  	s17 =	sshll.u32 s0, $0xA;
	s2 =	sadd.s32 s3, s2  }
0x8d: {  	s2 =	sadd.s32 s2, s17  }
0x8e: {  	[smem:$0x3FC1] =	sst s2  }
0x8f: {  	_ = 	snop  }
0x90: {  	s2 =	sld [smem:$0x3FD0];
	(tm) =	ssettm $0x1  }
0x91: {  	s18 =	sld [smem:$0x3FFB];
	_ =	sdelay $0x3  }
0x92: {  	_ =	strace s18  }
0x93: {  	s3 =	sld [smem:$0x3FFC];
	_ =	sdelay $0x3  }
0x94: {  	_ =	strace s3  }
0x95: {  	s3 =	sld [smem:$0x3FFD];
	_ =	sdelay $0x3  }
0x96: {  	_ =	strace s3  }
0x97: {  	_ =	strace $0x8FFFFFFF  }
0x98: {  	s19 =	sld [smem:$0x3FDB];
	_ =	sdelay $0x1  }
0x99: {  	s4 =	simm.s32 $_scs_section_size  }
0x9a: {  	s5 =	simm.s32 $_size__tile_overlayer_lowered;
	s6 =	simm.s32 $_tile_overlayer_lowered  }
0x9b: {  	s22 =	simm.s32 $0x1BFF;
	s21 =	sshll.u32 s6, $0x1;
	s3 =	sadd.s32 s4, s19  }
0x9c: {  	s7 =	simm.s32 $0x0;
	s20 =	sshll.u32 s5, $0x1;
	s5 =	sadd.s32 s21, s3  }
0x9d: {  	[timem:s7], [sflag:s22] =	dma.local [hbm:s5], s20  }
0x9e: {  	_ =	swait.ge [sflag:s22], s20  }
0x9f: {  	s4 =	ssub.s32 $0x0, s20;
	[sflag:s22] =	ssyncset.done $0x0  }
0xa0: {  	[sflag:s22] =	ssyncadd.s32 s4;
	_ =	sdelay $0x1  }
0xa1: {  	s23 =	simm.s32 $0x1B8B  }
0xa2: {  	_ =	swait.ge [sflag:s23], $0x1  }
0xa3: {  	[sflag:s23] =	ssyncset.done $0x0  }
0xa4: {  	s25 =	simm.s32 $0x1B8E;
	s24 =	sld [smem:$0x3FFE];
	[sflag:s23] =	ssyncadd.s32 $0xFFFFFFFF  }
0xa5: {  	s26 =	simm.s32 $execute0_lowered;
	[smem:$0x3FD2] =	sst s25  }
0xa6: {  	s5 =	sshll.u32 s26, $0x1;
	_ =	strace $0x80000046;
	[dreg:$0x1] =	wrdreg $0xFFFFFFFF  }
0xa7: {  	s28 =	simm.s32 $_size_execute0_lowered;
	s3 =	sadd.s32 s3, s5;
	[dreg:$0x0] =	wrdreg $0x0  }
0xa8: {  	s5 =	sshll.u32 s28, $0x1;
	[dreg:$0x2] =	wrdreg s3  }
0xa9: {  	[dreg:$0x3] =	wrdreg s5  }
0xaa: {  	[dreg:$0x4] =	wrdreg $0xC0  }
0xab: {  	_ =	task [dreg:s7], $0x5FFFF  }
0xac: {  	[dreg:$0x1] =	wrdreg $0xFFFFFFFF  }
0xad: {  	[dreg:$0x0] =	wrdreg $0x60  }
0xae: {  	[dreg:$0x2] =	wrdreg s2  }
0xaf: {  	[dreg:$0x3] =	wrdreg s24  }
0xb0: {  	[dreg:$0x4] =	wrdreg $0xBA000  }
0xb1: {  	[dreg:$0x5] =	wrdreg $0x9  }
0xb2: {  	_ =	task.clear_ibuf [dreg:s7], $0x6FFFF;
	_ =	strace $0x90000046  }
0xb3: {  	s29 =	simm.s32 $0x9;
	_ =	strace $0x80000048  }
0xb4: {  	_ =	swait.ge [sflag:s29], $0x1  }
0xb5: {  	[sflag:s29] =	ssyncadd.s32 $0xFFFFFFFF  }
0xb6: {  	_ =	strace $0x90000048  }
0xb7: {  	_ =	sfence  }
0xb8: {  	s30 =	sld [smem:$0x0];
	_ =	sdelay $0x2  }
0xb9: {  	s31 =	sshll.u32 s1, $0xD;
	s1 =	sshrl.u32 s1, $0x2  }
0xba: {  	s3 =	sand.u32 $0x4000, s31;
	s1 =	sadd.s32 s1, s30  }
0xbb: {  	s0 =	sor.u32 s3, s0;
	s1 =	sshll.u32 s1, $0x11  }
0xbc: {  	s0 =	sor.u32 s1, s0  }
0xbd: {  	s0 =	sadd.s32 $0x8F2B, s0  }
0xbe: {  	[sflag:s0] =	ssyncadd.remote.s32 $0x1  }
0xbf: {  	_ =	sfence.sel $0xFFFF  }
0xc0: {  	[dreg:$0x0] =	wrdreg $0xFFFFFFFF;
	(pc) =	sbr.abs _section_cstart, $3  }
0xc1: {  	[dreg:$0x1] =	wrdreg $0xFFFFFFFF  }
0xc2: {  	_ =	task.clear_ibuf [dreg:s7], $0x2FFFF;
	_ =	strace $0x9FFFFFFF  }
0xc3: {  	(tm) =	ssettm $0x7FFFFFFF  }
tec
execute0_lowered:
.L_overlay_start_1:
0x0: {  	(tag) =	ssettag $0x1  }
0x1: {  	s1 =	rddreg [dreg:$0x0]  }
0x2: {  	s0 =	rddreg [dreg:$0x1]  }
0x3: {  	s3 =	rddreg [dreg:$0x2]  }
0x4: {  	s2 =	srdreg.scid;
	s10 =	stileid.u32;
	s4 =	simm.s32 $0x0  }
0x5: {  	s28 =	simm.s32 $0x3;
	s29 =	simm.s32 $0x4100;
	s30 =	simm.s32 $0x4  }
0x6: {  	s31 =	simm.s32 $0x2;
	s2 =	sand.u32 $0x1, s2;
	s8 =	smul.u32 $0x13C00, s10  }
0x7: {  	[smem:$0x7FF] =	sst s4;
	s5 =	sshll.u32 s2, $0x4;
	s6 =	smul.u32 $0x13C000, s2  }
0x8: {  	_ =	strace $0x80000047;
	s2 =	ssub.s32 $0x2, s2;
	s7 =	sor.u32 s10, s5  }
0x9: {  	s10 =	smul.u32 $0x4F000, s10;
	s5 =	sadd.s32 $0x11200, s0;
	s11 =	sshrl.u32 s2, $0x1  }
0xa: {  	s9 =	sshll.u32 s7, $0xB;
	s6 =	sadd.s32 s8, s6;
	s25 =	smul.u32 $0x27100, s7  }
0xb: {  	s2 =	ssub.s32 s2, s11;
	s14 =	smul.u32 $0x7D, s7;
	s18 =	sshrl.u32 s10, $0x2  }
0xc: {  	s7 =	simm.s32 $0x0;
	s19 =	sshrl.u32 s6, $0x3;
	s6 =	sadd.s32 s18, s3  }
0xd: {  	s9 =	sadd.s32 s9, s0;
	s0 =	sadd.s32 s19, s0;
	s8 =	sadd.s32 $0x2800, s6  }
0xe: {  	s15 =	sadd.s32 $0x1200, s9;
	s20 =	sadd.s32 $0x5000, s6;
	[dreg:$0x4] =	wrdreg s8  }
0xf: {  	s16 =	sadd.s32 s5, s25;
	s21 =	sadd.s32 $0x7800, s6;
	[dreg:$0x5] =	wrdreg s20  }
0x10: {  	s18 =	smax.u32 s2, $0x1;
	s22 =	sadd.s32 $0xA000, s6;
	[dreg:$0x6] =	wrdreg s21  }
0x11: {  	s19 =	simm.s32 $0x9200;
	s23 =	sadd.s32 $0xC800, s6;
	[dreg:$0x7] =	wrdreg s22  }
0x12: {  	s25 =	simm.s32 $0x6A00;
	s24 =	sadd.s32 $0xF000, s6;
	[dreg:$0x8] =	wrdreg s23  }
0x13: {  	s2 =	simm.s32 $0x5;
	s26 =	sadd.s32 $0x11800, s6;
	[dreg:$0x9] =	wrdreg s24  }
0x14: {  	s17 =	sadd.s32 $0x4F3200, s0;
	s0 =	simm.s32 $0x4180;
	[dreg:$0xa] =	wrdreg s26  }
0x15: {  	s20 =	simm.s32 $0x6;
	s21 =	simm.s32 $0x50;
	s22 =	simm.s32 $0x4000  }
0x16: {  	v0 =	vimm.f32 $0.0e+00;
	s23 =	simm.s32 $0x4200;
	s24 =	simm.s32 $0x4080;
	s26 =	simm.s32 $0x1  }
.LBB2_1:
0x17: {  	s8 =	simm.s32 $0x0;
	s9 =	simm.s32 $0x200  }
.LBB2_2:
0x18: {  	p0 =	sne.s32 s9, $0x9E00;
	[tilespmem:s8+$0x9270] =	vst v0  }
0x19: {  	[tilespmem:s8+$0x9200] =	vst v0  }
0x1a: {  	[tilespmem:s8+$0x9210] =	vst v0  }
.Ltmp0:
0x1b: {  	[tilespmem:s8+$0x9220] =	vst v0;
	(pc) =	sbr.rel @p0 .LBB2_2-.Ltmp0, $4  }
0x1c: {  	[tilespmem:s8+$0x9230] =	vst v0  }
0x1d: {  	[tilespmem:s8+$0x9240] =	vst v0  }
0x1e: {  	[tilespmem:s8+$0x9250] =	vst v0  }
0x1f: {  	[tilespmem:s8+$0x9260] =	vst v0;
	s8 =	sshra.s32 s9, $0x2;
	s9 =	sadd.s32 $0x200, s9  }
0x20: {  	[tilespmem:s8+$0x9270] =	vst v0  }
0x21: {  	[tilespmem:s8+$0x9200] =	vst v0  }
0x22: {  	[tilespmem:s8+$0x9210] =	vst v0  }
0x23: {  	[tilespmem:s8+$0x9220] =	vst v0  }
0x24: {  	[tilespmem:s8+$0x9230] =	vst v0  }
0x25: {  	[tilespmem:s8+$0x9240] =	vst v0  }
0x26: {  	[tilespmem:s8+$0x9250] =	vst v0  }
0x27: {  	[tilespmem:s8+$0x9260] =	vst v0  }
0x28: {  	[spmem:s6] =	stream.linear.scatter [tilespmem:s19], [sflag:$0x6], $0x2800, $0x38;
	[tilespmem:$0x1F600] =	vst v63  }
0x29: {  	_ =	swait.ge [sflag:s20], $0x2800  }
0x2a: {  	[sflag:s20] =	ssyncset.done $0x0  }
0x2b: {  	s12 =	rddreg [dreg:$0x4];
	[sflag:s20] =	ssyncadd.s32 $0xFFFFD800  }
0x2c: {  	[spmem:s12] =	stream.linear.scatter [tilespmem:s19], [sflag:$0x6], $0x2800, $0x38;
	[tilespmem:$0x1F600] =	vst v63  }
0x2d: {  	_ =	swait.ge [sflag:s20], $0x2800  }
0x2e: {  	[sflag:s20] =	ssyncset.done $0x0  }
0x2f: {  	s13 =	rddreg [dreg:$0x5];
	[sflag:s20] =	ssyncadd.s32 $0xFFFFD800  }
0x30: {  	[spmem:s13] =	stream.linear.scatter [tilespmem:s19], [sflag:$0x6], $0x2800, $0x38;
	[tilespmem:$0x1F600] =	vst v63  }
0x31: {  	_ =	swait.ge [sflag:s20], $0x2800  }
0x32: {  	[sflag:s20] =	ssyncset.done $0x0  }
0x33: {  	s9 =	rddreg [dreg:$0x6];
	[sflag:s20] =	ssyncadd.s32 $0xFFFFD800  }
0x34: {  	[spmem:s9] =	stream.linear.scatter [tilespmem:s19], [sflag:$0x6], $0x2800, $0x38;
	[tilespmem:$0x1F600] =	vst v63  }
0x35: {  	_ =	swait.ge [sflag:s20], $0x2800  }
0x36: {  	[sflag:s20] =	ssyncset.done $0x0  }
0x37: {  	s10 =	rddreg [dreg:$0x7];
	[sflag:s20] =	ssyncadd.s32 $0xFFFFD800  }
0x38: {  	[spmem:s10] =	stream.linear.scatter [tilespmem:s19], [sflag:$0x6], $0x2800, $0x38;
	[tilespmem:$0x1F600] =	vst v63  }
0x39: {  	_ =	swait.ge [sflag:s20], $0x2800  }
0x3a: {  	[sflag:s20] =	ssyncset.done $0x0  }
0x3b: {  	s11 =	rddreg [dreg:$0x8];
	[sflag:s20] =	ssyncadd.s32 $0xFFFFD800  }
0x3c: {  	[spmem:s11] =	stream.linear.scatter [tilespmem:s19], [sflag:$0x6], $0x2800, $0x38;
	[tilespmem:$0x1F600] =	vst v63  }
0x3d: {  	_ =	swait.ge [sflag:s20], $0x2800  }
0x3e: {  	[sflag:s20] =	ssyncset.done $0x0  }
0x3f: {  	s12 =	rddreg [dreg:$0x9];
	[sflag:s20] =	ssyncadd.s32 $0xFFFFD800  }
0x40: {  	[spmem:s12] =	stream.linear.scatter [tilespmem:s19], [sflag:$0x6], $0x2800, $0x38;
	[tilespmem:$0x1F600] =	vst v63  }
0x41: {  	_ =	swait.ge [sflag:s20], $0x2800  }
0x42: {  	[sflag:s20] =	ssyncset.done $0x0  }
0x43: {  	s13 =	rddreg [dreg:$0xa];
	[sflag:s20] =	ssyncadd.s32 $0xFFFFD800  }
0x44: {  	[spmem:s13] =	stream.linear.scatter [tilespmem:s19], [sflag:$0x6], $0x2400, $0x38;
	[tilespmem:$0x1F600] =	vst v63  }
0x45: {  	_ =	swait.ge [sflag:s20], $0x2400  }
0x46: {  	[sflag:s20] =	ssyncset.done $0x0  }
0x47: {  	s8 =	simm.s32 $0x0;
	[sflag:s20] =	ssyncadd.s32 $0xFFFFDC00  }
0x48: {  	[tilespmem:s8], [sflag:$0x6] =	stream.linear.gather [hbm4b:s15+s8], $0x3E80, $0x38;
	[tilespmem:$0x1F600] =	vst v63  }
0x49: {  	_ =	swait.ge [sflag:s20], $0x3E80  }
0x4a: {  	[sflag:s20] =	ssyncset.done $0x0  }
0x4b: {  	[sflag:s20] =	ssyncadd.s32 $0xFFFFC180  }
0x4c: {  	[bflag:$0x0] =	sbarrier.arrive $0xFFFF  }
0x4d: {  	v1 =	vld [tilespmem:$0x0];
	_ =	sdelay $0x1  }
0x4e: {  	v2 =	vld [tilespmem:$0x10];
	_ =	sdelay $0x1  }
0x4f: {  	v3 =	vld [tilespmem:$0x20]  }
0x50: {  	v4 =	vand.u32 $0xFFFF, v1  }
0x51: {  	v63 =	vld [tilespmem:$0x30];
	v1 =	vshrl.u32 v1, $0x10;
	[tilespmem:$0x4000] =	vst v4  }
0x52: {  	[tilespmem:$0x4100] =	vst v1;
	v1 =	vand.u32 $0xFFFF, v2  }
0x53: {  	[tilespmem:$0x4010] =	vst v1;
	v1 =	vshrl.u32 v2, $0x10;
	v2 =	vld [tilespmem:$0x40]  }
0x54: {  	[tilespmem:$0x4110] =	vst v1;
	v1 =	vand.u32 $0xFFFF, v3  }
0x55: {  	[tilespmem:$0x4020] =	vst v1;
	v1 =	vshrl.u32 v3, $0x10  }
0x56: {  	[tilespmem:$0x4120] =	vst v1;
	v1 =	vand.u32 $0xFFFF, v63  }
0x57: {  	[tilespmem:$0x4030] =	vst v1;
	v1 =	vshrl.u32 v63, $0x10  }
0x58: {  	[tilespmem:$0x4130] =	vst v1;
	v1 =	vand.u32 $0xFFFF, v2  }
0x59: {  	[tilespmem:$0x4040] =	vst v1;
	v1 =	vshrl.u32 v2, $0x10  }
0x5a: {  	[tilespmem:$0x4140] =	vst v1  }
0x5b: {  	[tilespmem:s23], [sflag:$0x1] =	stream.indirect.gather [hbm4b:s1+s21], $0x80, s22, s21, $0xb8;
	[tilespmem:$0x1F600] =	vst v63  }
0x5c: {  	_ = 	snop  }
0x5d: {  	[tilespmem:s19], [sflag:$0x3] =	stream.linear.gather [hbm4b:s16+s8], $0x2800, $0x38;
	[tilespmem:$0x1F600] =	vst v63  }
.LBB2_4:
0x5e: {  	p0 =	seq.s32 s8, $0x0  }
0x5f: {  	s9 =	sshll.u32 s8, $0x1;
	s11 =	simm.s32 @!p0 $0x5  }
0x60: {  	s10 =	sor.u32 $0x1, s9;
	_ =	swait.ge @!p0 [sflag:s11], $0x2800  }
0x61: {  	s12 =	sshll.u32 s10, $0x7;
	[sflag:s11] =	ssyncset.done @!p0 $0x0  }
0x62: {  	s13 =	sand.u32 $0x3FFFFF80, s12;
	[sflag:s11] =	ssyncadd.s32 @!p0 $0xFFFFD800  }
0x63: {  	v1 =	vld [tilespmem:s13+$0x0];
	_ =	sdelay $0x4  }
0x64: {  	v2 =	vand.u32 $0xFFFF, v1  }
0x65: {  	v1 =	vshrl.u32 v1, $0x10;
	[tilespmem:$0x4080] =	vst v2  }
0x66: {  	[tilespmem:$0x4180] =	vst v1  }
0x67: {  	v1 =	vld [tilespmem:s13+$0x10];
	_ =	sdelay $0x4  }
0x68: {  	v2 =	vand.u32 $0xFFFF, v1  }
0x69: {  	v1 =	vshrl.u32 v1, $0x10;
	[tilespmem:$0x4090] =	vst v2  }
0x6a: {  	[tilespmem:$0x4190] =	vst v1  }
0x6b: {  	v1 =	vld [tilespmem:s13+$0x20];
	_ =	sdelay $0x4  }
0x6c: {  	v2 =	vand.u32 $0xFFFF, v1  }
0x6d: {  	v1 =	vshrl.u32 v1, $0x10;
	[tilespmem:$0x40A0] =	vst v2  }
0x6e: {  	[tilespmem:$0x41A0] =	vst v1  }
0x6f: {  	v1 =	vld [tilespmem:s13+$0x30];
	_ =	sdelay $0x4  }
0x70: {  	v2 =	vand.u32 $0xFFFF, v1  }
0x71: {  	v1 =	vshrl.u32 v1, $0x10;
	[tilespmem:$0x40B0] =	vst v2  }
0x72: {  	[tilespmem:$0x41B0] =	vst v1  }
0x73: {  	v1 =	vld [tilespmem:s13+$0x40];
	_ =	sdelay $0x4  }
0x74: {  	v2 =	vand.u32 $0xFFFF, v1  }
0x75: {  	v1 =	vshrl.u32 v1, $0x10;
	[tilespmem:$0x40C0] =	vst v2  }
0x76: {  	[tilespmem:$0x41C0] =	vst v1  }
0x77: {  	[tilespmem:s25], [sflag:$0x2] =	stream.indirect.gather [hbm4b:s1+s21], $0x80, s24, s21, $0xb8;
	[tilespmem:$0x1F600] =	vst v63  }
0x78: {  	_ =	swait.ge [sflag:s26], $0x2800  }
0x79: {  	[sflag:s26] =	ssyncset.done $0x0  }
0x7a: {  	[sflag:s26] =	ssyncadd.s32 $0xFFFFD800  }
0x7b: {  	_ =	swait.ge [sflag:s28], $0x2800  }
0x7c: {  	[sflag:s28] =	ssyncset.done $0x0  }
0x7d: {  	s11 =	simm.s32 $0x0;
	[sflag:s28] =	ssyncadd.s32 $0xFFFFD800  }
0x7e: {  	v7 =	vld [tilespmem:s11+$0x9200]  }
0x7f: {  	v12 =	vld [tilespmem:s11+$0x9210]  }
0x80: {  	v6 =	vld [tilespmem:s11+$0x9220]  }
0x81: {  	v5 =	vld [tilespmem:s11+$0x9230]  }
0x82: {  	v4 =	vld [tilespmem:s11+$0x9240]  }
0x83: {  	v3 =	vld [tilespmem:s11+$0x9250]  }
0x84: {  	v2 =	vld [tilespmem:s11+$0x9260]  }
0x85: {  	v1 =	vld [tilespmem:s11+$0x9270]  }
0x86: {  	v13 =	vld [tilespmem:s11+$0x4200]  }
0x87: {  	v14 =	vld [tilespmem:s11+$0x4210]  }
0x88: {  	v11 =	vld [tilespmem:s11+$0x4220]  }
0x89: {  	v10 =	vld [tilespmem:s11+$0x4230]  }
0x8a: {  	v9 =	vld [tilespmem:s11+$0x4240]  }
0x8b: {  	v8 =	vld [tilespmem:s11+$0x4250];
	v13 =	vadd.f32 v7, v13  }
0x8c: {  	s12 =	simm.s32 $0x200;
	v12 =	vadd.f32 v12, v14;
	v7 =	vld [tilespmem:s11+$0x4260]  }
.LBB2_5:
0x8d: {  	s13 =	sshra.s32 s12, $0x2;
	p0 =	sne.s32 s12, $0x9E00;
	v13 =	vmax.f32 v13, $0.0e+00;
	v6 =	vadd.f32 v6, v11;
	v11 =	vld [tilespmem:s11+$0x4270]  }
0x8e: {  	v14 =	vld [tilespmem:s13+$0x9200];
	[tilespmem:s11+$0x4200] =	vst v13;
	v12 =	vmax.f32 v12, $0.0e+00;
	v5 =	vadd.f32 v5, v10  }
0x8f: {  	v15 =	vld [tilespmem:s13+$0x9210];
	[tilespmem:s11+$0x4210] =	vst v12;
	v10 =	vmax.f32 v6, $0.0e+00;
	v4 =	vadd.f32 v4, v9  }
0x90: {  	v6 =	vld [tilespmem:s13+$0x9220];
	[tilespmem:s11+$0x4220] =	vst v10;
	v9 =	vmax.f32 v5, $0.0e+00;
	v3 =	vadd.f32 v3, v8  }
0x91: {  	v5 =	vld [tilespmem:s13+$0x9230];
	[tilespmem:s11+$0x4230] =	vst v9;
	v8 =	vmax.f32 v4, $0.0e+00;
	v2 =	vadd.f32 v2, v7  }
0x92: {  	v4 =	vld [tilespmem:s13+$0x9240];
	[tilespmem:s11+$0x4240] =	vst v8;
	v7 =	vmax.f32 v3, $0.0e+00;
	v1 =	vadd.f32 v1, v11  }
0x93: {  	v3 =	vld [tilespmem:s13+$0x9250];
	[tilespmem:s11+$0x4250] =	vst v7;
	v7 =	vmax.f32 v2, $0.0e+00  }
0x94: {  	v2 =	vld [tilespmem:s13+$0x9260];
	[tilespmem:s11+$0x4260] =	vst v7;
	v7 =	vmax.f32 v1, $0.0e+00  }
0x95: {  	v1 =	vld [tilespmem:s13+$0x9270];
	[tilespmem:s11+$0x4270] =	vst v7;
	s11 =	smov.u32 s13  }
0x96: {  	v7 =	vld [tilespmem:s11+$0x4200]  }
0x97: {  	v12 =	vld [tilespmem:s11+$0x4210]  }
.Ltmp1:
0x98: {  	v11 =	vld [tilespmem:s11+$0x4220];
	(pc) =	sbr.rel @p0 .LBB2_5-.Ltmp1, $4  }
0x99: {  	v10 =	vld [tilespmem:s11+$0x4230]  }
0x9a: {  	v9 =	vld [tilespmem:s11+$0x4240]  }
0x9b: {  	v13 =	vadd.f32 v14, v7;
	v8 =	vld [tilespmem:s11+$0x4250]  }
0x9c: {  	s12 =	sadd.s32 $0x200, s12;
	v12 =	vadd.f32 v15, v12;
	v7 =	vld [tilespmem:s11+$0x4260]  }
0x9d: {  	v13 =	vmax.f32 v13, $0.0e+00;
	v6 =	vadd.f32 v6, v11;
	v11 =	vld [tilespmem:s11+$0x4270]  }
0x9e: {  	[tilespmem:s11+$0x4200] =	vst v13;
	v12 =	vmax.f32 v12, $0.0e+00;
	v5 =	vadd.f32 v5, v10  }
0x9f: {  	[tilespmem:s11+$0x4210] =	vst v12;
	v6 =	vmax.f32 v6, $0.0e+00;
	v4 =	vadd.f32 v4, v9  }
0xa0: {  	[tilespmem:s11+$0x4220] =	vst v6;
	v5 =	vmax.f32 v5, $0.0e+00;
	v3 =	vadd.f32 v3, v8  }
0xa1: {  	[tilespmem:s11+$0x4230] =	vst v5;
	v4 =	vmax.f32 v4, $0.0e+00;
	v2 =	vadd.f32 v2, v7  }
0xa2: {  	s10 =	sadd.s32 s14, s10;
	[tilespmem:s11+$0x4240] =	vst v4;
	v3 =	vmax.f32 v3, $0.0e+00;
	v1 =	vadd.f32 v1, v11  }
0xa3: {  	s10 =	smul.u32 $0x500, s10;
	[tilespmem:s11+$0x4250] =	vst v3;
	v2 =	vmax.f32 v2, $0.0e+00  }
0xa4: {  	[tilespmem:s11+$0x4260] =	vst v2;
	v1 =	vmax.f32 v1, $0.0e+00  }
0xa5: {  	s12 =	simm.s32 $0x0;
	s10 =	sadd.s32 s5, s10;
	[tilespmem:s11+$0x4270] =	vst v1  }
0xa6: {  	[tilespmem:s19], [sflag:$0x3] =	stream.linear.gather [hbm4b:s10+s12], $0x2800, $0x38;
	[tilespmem:$0x1F600] =	vst v63  }
0xa7: {  	_ = 	snop  }
0xa8: {  	[spmem:s3] =	stream.indirect.scatter.add.f32 [tilespmem:s23], [sflag:$0x4], $0x80, s29, s21, $0xb8;
	[tilespmem:$0x1F600] =	vst v63  }
0xa9: {  	s9 =	sadd.s32 $0x2, s9;
	_ =	swait.ge [sflag:s30], $0x2800  }
0xaa: {  	s13 =	sshll.u32 s9, $0x7;
	[sflag:s30] =	ssyncset.done $0x0  }
0xab: {  	s10 =	sand.u32 $0x3FFFFF80, s13;
	[sflag:s30] =	ssyncadd.s32 $0xFFFFD800  }
0xac: {  	v1 =	vld [tilespmem:s10+$0x0];
	_ =	sdelay $0x4  }
0xad: {  	v2 =	vand.u32 $0xFFFF, v1  }
0xae: {  	v1 =	vshrl.u32 v1, $0x10;
	[tilespmem:$0x4000] =	vst v2  }
0xaf: {  	[tilespmem:$0x4100] =	vst v1  }
0xb0: {  	v1 =	vld [tilespmem:s10+$0x10];
	_ =	sdelay $0x4  }
0xb1: {  	v2 =	vand.u32 $0xFFFF, v1  }
0xb2: {  	v1 =	vshrl.u32 v1, $0x10;
	[tilespmem:$0x4010] =	vst v2  }
0xb3: {  	[tilespmem:$0x4110] =	vst v1  }
0xb4: {  	v1 =	vld [tilespmem:s10+$0x20];
	_ =	sdelay $0x4  }
0xb5: {  	v2 =	vand.u32 $0xFFFF, v1  }
0xb6: {  	v1 =	vshrl.u32 v1, $0x10;
	[tilespmem:$0x4020] =	vst v2  }
0xb7: {  	[tilespmem:$0x4120] =	vst v1  }
0xb8: {  	v1 =	vld [tilespmem:s10+$0x30];
	_ =	sdelay $0x4  }
0xb9: {  	v2 =	vand.u32 $0xFFFF, v1  }
0xba: {  	v1 =	vshrl.u32 v1, $0x10;
	[tilespmem:$0x4030] =	vst v2  }
0xbb: {  	[tilespmem:$0x4130] =	vst v1  }
0xbc: {  	v1 =	vld [tilespmem:s10+$0x40];
	_ =	sdelay $0x4  }
0xbd: {  	v2 =	vand.u32 $0xFFFF, v1  }
0xbe: {  	v1 =	vshrl.u32 v1, $0x10;
	[tilespmem:$0x4040] =	vst v2  }
0xbf: {  	[tilespmem:$0x4140] =	vst v1  }
0xc0: {  	[tilespmem:s23], [sflag:$0x1] =	stream.indirect.gather [hbm4b:s1+s21], $0x80, s22, s21, $0xb8;
	[tilespmem:$0x1F600] =	vst v63  }
0xc1: {  	_ =	swait.ge [sflag:s31], $0x2800  }
0xc2: {  	[sflag:s31] =	ssyncset.done $0x0  }
0xc3: {  	[sflag:s31] =	ssyncadd.s32 $0xFFFFD800  }
0xc4: {  	_ =	swait.ge [sflag:s28], $0x2800  }
0xc5: {  	[sflag:s28] =	ssyncset.done $0x0  }
0xc6: {  	s10 =	simm.s32 $0x0;
	[sflag:s28] =	ssyncadd.s32 $0xFFFFD800  }
0xc7: {  	v7 =	vld [tilespmem:s10+$0x9200]  }
0xc8: {  	v12 =	vld [tilespmem:s10+$0x9210]  }
0xc9: {  	v6 =	vld [tilespmem:s10+$0x9220]  }
0xca: {  	v5 =	vld [tilespmem:s10+$0x9230]  }
0xcb: {  	v4 =	vld [tilespmem:s10+$0x9240]  }
0xcc: {  	v3 =	vld [tilespmem:s10+$0x9250]  }
0xcd: {  	v2 =	vld [tilespmem:s10+$0x9260]  }
0xce: {  	v1 =	vld [tilespmem:s10+$0x9270]  }
0xcf: {  	v13 =	vld [tilespmem:s10+$0x6A00]  }
0xd0: {  	v14 =	vld [tilespmem:s10+$0x6A10]  }
0xd1: {  	v11 =	vld [tilespmem:s10+$0x6A20]  }
0xd2: {  	v10 =	vld [tilespmem:s10+$0x6A30]  }
0xd3: {  	v9 =	vld [tilespmem:s10+$0x6A40]  }
0xd4: {  	v8 =	vld [tilespmem:s10+$0x6A50];
	v13 =	vadd.f32 v7, v13  }
0xd5: {  	s11 =	simm.s32 $0x200;
	v12 =	vadd.f32 v12, v14;
	v7 =	vld [tilespmem:s10+$0x6A60]  }
.LBB2_7:
0xd6: {  	s12 =	sshra.s32 s11, $0x2;
	p0 =	sne.s32 s11, $0x9E00;
	v13 =	vmax.f32 v13, $0.0e+00;
	v6 =	vadd.f32 v6, v11;
	v11 =	vld [tilespmem:s10+$0x6A70]  }
0xd7: {  	v14 =	vld [tilespmem:s12+$0x9200];
	[tilespmem:s10+$0x6A00] =	vst v13;
	v12 =	vmax.f32 v12, $0.0e+00;
	v5 =	vadd.f32 v5, v10  }
0xd8: {  	v15 =	vld [tilespmem:s12+$0x9210];
	[tilespmem:s10+$0x6A10] =	vst v12;
	v10 =	vmax.f32 v6, $0.0e+00;
	v4 =	vadd.f32 v4, v9  }
0xd9: {  	v6 =	vld [tilespmem:s12+$0x9220];
	[tilespmem:s10+$0x6A20] =	vst v10;
	v9 =	vmax.f32 v5, $0.0e+00;
	v3 =	vadd.f32 v3, v8  }
0xda: {  	v5 =	vld [tilespmem:s12+$0x9230];
	[tilespmem:s10+$0x6A30] =	vst v9;
	v8 =	vmax.f32 v4, $0.0e+00;
	v2 =	vadd.f32 v2, v7  }
0xdb: {  	v4 =	vld [tilespmem:s12+$0x9240];
	[tilespmem:s10+$0x6A40] =	vst v8;
	v7 =	vmax.f32 v3, $0.0e+00;
	v1 =	vadd.f32 v1, v11  }
0xdc: {  	v3 =	vld [tilespmem:s12+$0x9250];
	[tilespmem:s10+$0x6A50] =	vst v7;
	v7 =	vmax.f32 v2, $0.0e+00  }
0xdd: {  	v2 =	vld [tilespmem:s12+$0x9260];
	[tilespmem:s10+$0x6A60] =	vst v7;
	v7 =	vmax.f32 v1, $0.0e+00  }
0xde: {  	v1 =	vld [tilespmem:s12+$0x9270];
	[tilespmem:s10+$0x6A70] =	vst v7;
	s10 =	smov.u32 s12  }
0xdf: {  	v7 =	vld [tilespmem:s10+$0x6A00]  }
0xe0: {  	v12 =	vld [tilespmem:s10+$0x6A10]  }
.Ltmp2:
0xe1: {  	v11 =	vld [tilespmem:s10+$0x6A20];
	(pc) =	sbr.rel @p0 .LBB2_7-.Ltmp2, $4  }
0xe2: {  	v10 =	vld [tilespmem:s10+$0x6A30]  }
0xe3: {  	v9 =	vld [tilespmem:s10+$0x6A40]  }
0xe4: {  	v13 =	vadd.f32 v14, v7;
	v8 =	vld [tilespmem:s10+$0x6A50]  }
0xe5: {  	s11 =	sadd.s32 $0x200, s11;
	v12 =	vadd.f32 v15, v12;
	v7 =	vld [tilespmem:s10+$0x6A60]  }
0xe6: {  	v13 =	vmax.f32 v13, $0.0e+00;
	v6 =	vadd.f32 v6, v11;
	v63 =	vld [tilespmem:s10+$0x6A70]  }
0xe7: {  	[tilespmem:s10+$0x6A00] =	vst v13;
	v12 =	vmax.f32 v12, $0.0e+00;
	v5 =	vadd.f32 v5, v10  }
0xe8: {  	[tilespmem:s10+$0x6A10] =	vst v12;
	v6 =	vmax.f32 v6, $0.0e+00;
	v4 =	vadd.f32 v4, v9  }
0xe9: {  	[tilespmem:s10+$0x6A20] =	vst v6;
	v5 =	vmax.f32 v5, $0.0e+00;
	v3 =	vadd.f32 v3, v8  }
0xea: {  	[tilespmem:s10+$0x6A30] =	vst v5;
	v4 =	vmax.f32 v4, $0.0e+00;
	v2 =	vadd.f32 v2, v7  }
0xeb: {  	s9 =	sadd.s32 s14, s9;
	s8 =	sadd.s32 $0x1, s8;
	[tilespmem:s10+$0x6A40] =	vst v4;
	v3 =	vmax.f32 v3, $0.0e+00;
	v1 =	vadd.f32 v1, v63  }
0xec: {  	s9 =	smul.u32 $0x500, s9;
	p0 =	sne.s32 s8, $0x3E;
	[tilespmem:s10+$0x6A50] =	vst v3;
	v2 =	vmax.f32 v2, $0.0e+00  }
.Ltmp3:
0xed: {  	[tilespmem:s10+$0x6A60] =	vst v2;
	v1 =	vmax.f32 v1, $0.0e+00;
	(pc) =	sbr.rel @p0 .LBB2_4-.Ltmp3, $4  }
0xee: {  	s9 =	sadd.s32 s5, s9;
	[tilespmem:s10+$0x6A70] =	vst v1  }
0xef: {  	[tilespmem:s19], [sflag:$0x3] =	stream.linear.gather [hbm4b:s9+s4], $0x2800, $0x38;
	[tilespmem:$0x1F600] =	vst v63  }
0xf0: {  	_ = 	snop  }
0xf1: {  	[spmem:s3] =	stream.indirect.scatter.add.f32 [tilespmem:s25], [sflag:$0x5], $0x80, s0, s21, $0xb8;
	[tilespmem:$0x1F600] =	vst v63  }
0xf2: {  	_ =	swait.ge [sflag:s2], $0x2800  }
0xf3: {  	[sflag:s2] =	ssyncset.done $0x0  }
0xf4: {  	[sflag:s2] =	ssyncadd.s32 $0xFFFFD800  }
0xf5: {  	_ =	swait.ge [sflag:s26], $0x2800  }
0xf6: {  	[sflag:s26] =	ssyncset.done $0x0  }
0xf7: {  	[sflag:s26] =	ssyncadd.s32 $0xFFFFD800  }
0xf8: {  	_ =	swait.ge [sflag:s28], $0x2800  }
0xf9: {  	[sflag:s28] =	ssyncset.done $0x0  }
0xfa: {  	s8 =	simm.s32 $0x0;
	[sflag:s28] =	ssyncadd.s32 $0xFFFFD800  }
0xfb: {  	v7 =	vld [tilespmem:s8+$0x9200]  }
0xfc: {  	v12 =	vld [tilespmem:s8+$0x9210]  }
0xfd: {  	v6 =	vld [tilespmem:s8+$0x9220]  }
0xfe: {  	v5 =	vld [tilespmem:s8+$0x9230]  }
0xff: {  	v4 =	vld [tilespmem:s8+$0x9240]  }
0x100: {  	v3 =	vld [tilespmem:s8+$0x9250]  }
0x101: {  	v2 =	vld [tilespmem:s8+$0x9260]  }
0x102: {  	v1 =	vld [tilespmem:s8+$0x9270]  }
0x103: {  	v13 =	vld [tilespmem:s8+$0x4200]  }
0x104: {  	v14 =	vld [tilespmem:s8+$0x4210]  }
0x105: {  	v11 =	vld [tilespmem:s8+$0x4220]  }
0x106: {  	v10 =	vld [tilespmem:s8+$0x4230]  }
0x107: {  	v9 =	vld [tilespmem:s8+$0x4240]  }
0x108: {  	v8 =	vld [tilespmem:s8+$0x4250];
	v13 =	vadd.f32 v7, v13  }
0x109: {  	s9 =	simm.s32 $0x200;
	v12 =	vadd.f32 v12, v14;
	v7 =	vld [tilespmem:s8+$0x4260]  }
.LBB2_10:
0x10a: {  	s10 =	sshra.s32 s9, $0x2;
	p0 =	sne.s32 s9, $0x9E00;
	v13 =	vmax.f32 v13, $0.0e+00;
	v6 =	vadd.f32 v6, v11;
	v11 =	vld [tilespmem:s8+$0x4270]  }
0x10b: {  	v14 =	vld [tilespmem:s10+$0x9200];
	[tilespmem:s8+$0x4200] =	vst v13;
	v12 =	vmax.f32 v12, $0.0e+00;
	v5 =	vadd.f32 v5, v10  }
0x10c: {  	v15 =	vld [tilespmem:s10+$0x9210];
	[tilespmem:s8+$0x4210] =	vst v12;
	v10 =	vmax.f32 v6, $0.0e+00;
	v4 =	vadd.f32 v4, v9  }
0x10d: {  	v6 =	vld [tilespmem:s10+$0x9220];
	[tilespmem:s8+$0x4220] =	vst v10;
	v9 =	vmax.f32 v5, $0.0e+00;
	v3 =	vadd.f32 v3, v8  }
0x10e: {  	v5 =	vld [tilespmem:s10+$0x9230];
	[tilespmem:s8+$0x4230] =	vst v9;
	v8 =	vmax.f32 v4, $0.0e+00;
	v2 =	vadd.f32 v2, v7  }
0x10f: {  	v4 =	vld [tilespmem:s10+$0x9240];
	[tilespmem:s8+$0x4240] =	vst v8;
	v7 =	vmax.f32 v3, $0.0e+00;
	v1 =	vadd.f32 v1, v11  }
0x110: {  	v3 =	vld [tilespmem:s10+$0x9250];
	[tilespmem:s8+$0x4250] =	vst v7;
	v7 =	vmax.f32 v2, $0.0e+00  }
0x111: {  	v2 =	vld [tilespmem:s10+$0x9260];
	[tilespmem:s8+$0x4260] =	vst v7;
	v7 =	vmax.f32 v1, $0.0e+00  }
0x112: {  	v1 =	vld [tilespmem:s10+$0x9270];
	[tilespmem:s8+$0x4270] =	vst v7;
	s8 =	smov.u32 s10  }
0x113: {  	v7 =	vld [tilespmem:s8+$0x4200]  }
0x114: {  	v12 =	vld [tilespmem:s8+$0x4210]  }
.Ltmp4:
0x115: {  	v11 =	vld [tilespmem:s8+$0x4220];
	(pc) =	sbr.rel @p0 .LBB2_10-.Ltmp4, $4  }
0x116: {  	v10 =	vld [tilespmem:s8+$0x4230]  }
0x117: {  	v9 =	vld [tilespmem:s8+$0x4240]  }
0x118: {  	v13 =	vadd.f32 v14, v7;
	v8 =	vld [tilespmem:s8+$0x4250]  }
0x119: {  	s9 =	sadd.s32 $0x200, s9;
	v12 =	vadd.f32 v15, v12;
	v7 =	vld [tilespmem:s8+$0x4260]  }
0x11a: {  	v13 =	vmax.f32 v13, $0.0e+00;
	v6 =	vadd.f32 v6, v11;
	v63 =	vld [tilespmem:s8+$0x4270]  }
0x11b: {  	[tilespmem:s8+$0x4200] =	vst v13;
	v12 =	vmax.f32 v12, $0.0e+00;
	v5 =	vadd.f32 v5, v10  }
0x11c: {  	[tilespmem:s8+$0x4210] =	vst v12;
	v6 =	vmax.f32 v6, $0.0e+00;
	v4 =	vadd.f32 v4, v9  }
0x11d: {  	[tilespmem:s8+$0x4220] =	vst v6;
	v5 =	vmax.f32 v5, $0.0e+00;
	v3 =	vadd.f32 v3, v8  }
0x11e: {  	[tilespmem:s8+$0x4230] =	vst v5;
	v4 =	vmax.f32 v4, $0.0e+00;
	v2 =	vadd.f32 v2, v7  }
0x11f: {  	[tilespmem:s8+$0x4240] =	vst v4;
	v3 =	vmax.f32 v3, $0.0e+00;
	v1 =	vadd.f32 v1, v63  }
0x120: {  	[tilespmem:s8+$0x4250] =	vst v3;
	v2 =	vmax.f32 v2, $0.0e+00  }
0x121: {  	[tilespmem:s8+$0x4260] =	vst v2;
	v1 =	vmax.f32 v1, $0.0e+00  }
0x122: {  	[tilespmem:s8+$0x4270] =	vst v1  }
0x123: {  	[spmem:s3] =	stream.indirect.scatter.add.f32 [tilespmem:s23], [sflag:$0x4], $0x80, s29, s21, $0xb8;
	[tilespmem:$0x1F600] =	vst v63  }
0x124: {  	s13 =	stileid.u32;
	_ =	swait.ge [sflag:s30], $0x2800  }
0x125: {  	s9 =	sshrl.u32 s6, $0x3;
	s7 =	sadd.s32 $0x1, s7;
	[sflag:s30] =	ssyncset.done $0x0  }
0x126: {  	p0 =	sne.s32 s7, s18;
	s8 =	sshll.u32 s13, $0x6;
	[sflag:s30] =	ssyncadd.s32 $0xFFFFD800  }
.Ltmp5:
0x127: {  	s8 =	sor.u32 $0x1C06, s8;
	[bflag:$0x0] =	sbarrier.arrive $0xFFFF;
	(pc) =	sbr.rel @p0 .LBB2_1-.Ltmp5, $4  }
0x128: {  	[hbm:s17], [sflag:s8] =	dma.local [spmem:s9], $0x2780  }
0x129: {  	_ =	swait.ge [sflag:s20], $0x2780  }
0x12a: {  	[sflag:s20] =	ssyncset.done $0x0  }
0x12b: {  	[sflag:s20] =	ssyncadd.s32 $0xFFFFD880  }
0x12c: {  	_ =	sfence.sel $0x180000  }
0x12d: {  	[bflag:$0x0] =	sbarrier.arrive $0xFFFF  }
0x12e: {  	_ =	strace $0x90000047  }
0x12f: {  	s0 =	stileid.u32;
	[bflag:$0x2] =	sbarrier.arrive $0xFFFF  }
0x130: {  	p0 =	sne.s32 s0, $0x0;
	s0 =	rddreg [dreg:$0x3]  }
0x131: {  	s0 =	sadd.s32 @!p0 $0x100000, s0  }
0x132: {  	[sflag:s0] =	ssyncadd.tile.s32 @!p0 $0x1;
	_ =	shalt  }
.Lfunc_end2:
_tile_overlayer_lowered:
.L_overlay_start_2:
0x133: {  	(tag) =	ssettag $0x2  }
0x134: {  	s0 =	rddreg [dreg:$0x0];
	s2 =	stileid.u32  }
0x135: {  	s1 =	rddreg [dreg:$0x1];
	p0 =	sne.s32 s2, $0x0  }
0x136: {  	s3 =	rddreg [dreg:$0x2];
	[bflag:$0x3] =	sbarrier.arrive $0xFFFF;
	s2 =	simm.s32 @!p0 $0x1C06  }
0x137: {  	[timem:s3], [sflag:s2] =	dma.local @!p0 [hbm:s0], s1  }
0x138: {  	s0 =	simm.s32 @!p0 $0x6  }
0x139: {  	_ =	swait.ge @!p0 [sflag:s0], s1  }
0x13a: {  	s1 =	ssub.s32 @!p0 $0x0, s1;
	[sflag:s0] =	ssyncset.done @!p0 $0x0  }
0x13b: {  	[sflag:s0] =	ssyncadd.s32 @!p0 s1  }
0x13c: {  	[bflag:$0x3] =	sbarrier.arrive $0xFFFF  }
0x13d: {  	_ =	shalt  }

</sc_bundles>
